<compile_context>
chip_gen: v7x
topology: tpu7x:2x2x1
jax: 0.10.2.dev20260603
libtpu: 0.0.44.dev20260713+nightly
codegen_flags: <defaults>
</compile_context>

<pallas_src>
import functools

import jax
import jax.numpy as jnp
from jax import lax
from jax.experimental import pallas as pl
from jax.experimental.pallas import tpu as pltpu
from jax.experimental.pallas import tpu_sc as plsc

N = 10000
C = 128
K = 27
EK = 12000
E = K * EK
EPS = 1e-5

NUM_CORES = 2
NUM_SUBCORES = 16
WIN = 120
NWIN = E // WIN
NWIN_PER_CORE = NWIN // NUM_CORES
MAX_WIN_PER_SUB = -(-NWIN_PER_CORE // NUM_SUBCORES)
ROWS_UNIF = 624
TAIL_OFF = ROWS_UNIF * NUM_SUBCORES
TAIL = N - TAIL_OFF

MM_BLK = 1000
NB = N // MM_BLK
KG = 9
NKG = K // KG



def _mm_body(x_ref, w_ref, z_ref):
    res = jnp.dot(x_ref[...], w_ref[...], preferred_element_type=jnp.float32)
    for t in range(KG):
        z_ref[t] = res[:, t * C:(t + 1) * C]


def _z_from_x(x, wr):
    return pl.pallas_call(
        _mm_body,
        grid=(NB, NKG),
        in_specs=[
            pl.BlockSpec((MM_BLK, C), lambda i, g: (i, 0)),
            pl.BlockSpec((C, KG * C), lambda i, g: (0, g)),
        ],
        out_specs=pl.BlockSpec((KG, MM_BLK, C), lambda i, g: (g, i, 0)),
        out_shape=jax.ShapeDtypeStruct((K, N, C), jnp.float32),
    )(x, wr)


def _mm_norm_body(p_ref, sc_ref, sh_ref, w_ref, z_ref):
    h = (p_ref[0] + p_ref[1]) * sc_ref[...] + sh_ref[...]
    h = jnp.maximum(h, 0.0)
    res = jnp.dot(h, w_ref[...], preferred_element_type=jnp.float32)
    for t in range(KG):
        z_ref[t] = res[:, t * C:(t + 1) * C]


def _z_from_partials(p, scale, shift, wr):
    return pl.pallas_call(
        _mm_norm_body,
        grid=(NB, NKG),
        in_specs=[
            pl.BlockSpec((NUM_CORES, MM_BLK, C), lambda i, g: (0, i, 0)),
            pl.BlockSpec((1, C), lambda i, g: (0, 0)),
            pl.BlockSpec((1, C), lambda i, g: (0, 0)),
            pl.BlockSpec((C, KG * C), lambda i, g: (0, g)),
        ],
        out_specs=pl.BlockSpec((KG, MM_BLK, C), lambda i, g: (g, i, 0)),
        out_shape=jax.ShapeDtypeStruct((K, N, C), jnp.float32),
    )(p, scale, shift, wr)


def _stats_body(p_ref, sum_ref, sq_ref):
    i = pl.program_id(0)

    @pl.when(i == 0)
    def _():
        sum_ref[...] = jnp.zeros_like(sum_ref)
        sq_ref[...] = jnp.zeros_like(sq_ref)

    h = p_ref[0] + p_ref[1]
    sum_ref[...] += jnp.sum(h, axis=0, keepdims=True)
    sq_ref[...] += jnp.sum(h * h, axis=0, keepdims=True)


def _stats(p):
    return pl.pallas_call(
        _stats_body,
        grid=(NB,),
        in_specs=[pl.BlockSpec((NUM_CORES, MM_BLK, C), lambda i: (0, i, 0))],
        out_specs=[
            pl.BlockSpec((1, C), lambda i: (0, 0)),
            pl.BlockSpec((1, C), lambda i: (0, 0)),
        ],
        out_shape=[
            jax.ShapeDtypeStruct((1, C), jnp.float32),
            jax.ShapeDtypeStruct((1, C), jnp.float32),
        ],
    )(p)


def _final_body(p_ref, sc_ref, sh_ref, x_ref, o_ref):
    h = (p_ref[0] + p_ref[1]) * sc_ref[...] + sh_ref[...] + x_ref[...]
    o_ref[...] = jnp.maximum(h, 0.0)


def _final(p, scale, shift, x):
    return pl.pallas_call(
        _final_body,
        grid=(NB,),
        in_specs=[
            pl.BlockSpec((NUM_CORES, MM_BLK, C), lambda i: (0, i, 0)),
            pl.BlockSpec((1, C), lambda i: (0, 0)),
            pl.BlockSpec((1, C), lambda i: (0, 0)),
            pl.BlockSpec((MM_BLK, C), lambda i: (i, 0)),
        ],
        out_specs=pl.BlockSpec((MM_BLK, C), lambda i: (i, 0)),
        out_shape=jax.ShapeDtypeStruct((N, C), jnp.float32),
    )(p, scale, shift, x)



NG = (MAX_WIN_PER_SUB + 1) // 2
SRC_LOC = MAX_WIN_PER_SUB * WIN


@functools.partial(
    pl.kernel,
    out_type=jax.ShapeDtypeStruct((NUM_CORES, N, C), jnp.float32),
    mesh=plsc.VectorSubcoreMesh(core_axis_name="c", subcore_axis_name="s"),
    scratch_types=[
        pltpu.VMEM((SRC_LOC,), jnp.int32),
        pltpu.VMEM((WIN,), jnp.int32),
        pltpu.VMEM((WIN,), jnp.int32),
        pltpu.VMEM((WIN, C), jnp.float32),
        pltpu.VMEM((WIN, C), jnp.float32),
        pltpu.VMEM_SHARED((N, C), jnp.float32),
        pltpu.SemaphoreType.DMA,
        pltpu.SemaphoreType.DMA,
        pltpu.SemaphoreType.DMA,
        pltpu.SemaphoreType.DMA,
        pltpu.SemaphoreType.DMA,
        pltpu.SemaphoreType.DMA,
    ],
)
def _edge_conv(z_hbm, src_hbm, dst_hbm, zero_hbm, out_hbm,
               src_loc, dstv0, dstv1, rows0, rows1, acc,
               isem0, isem1, gsem0, gsem1, ssem0, ssem1):
    c = lax.axis_index("c")
    s = lax.axis_index("s")

    start_win = c * NWIN_PER_CORE + s * 84 + jnp.minimum(s, 6)
    cnt = jnp.where(s < 6, 85, 84)
    bulk_start = jnp.minimum(start_win, NWIN - MAX_WIN_PER_SUB)
    loc_off = start_win - bulk_start

    pltpu.sync_copy(src_hbm.at[pl.ds(bulk_start * WIN, SRC_LOC)], src_loc)

    pltpu.sync_copy(zero_hbm.at[pl.ds(s * ROWS_UNIF, ROWS_UNIF)],
                    acc.at[pl.ds(s * ROWS_UNIF, ROWS_UNIF)])

    @pl.when(s == 0)
    def _():
        pltpu.sync_copy(zero_hbm.at[pl.ds(TAIL_OFF, TAIL)],
                        acc.at[pl.ds(TAIL_OFF, TAIL)])

    plsc.subcore_barrier()

    def starts(dstv, rows, isem, gsem, j):
        w = start_win + j
        k = w // (EK // WIN)
        pltpu.async_copy(dst_hbm.at[pl.ds(w * WIN, WIN)], dstv, isem)
        pltpu.async_copy(
            z_hbm.at[k].at[src_loc.at[pl.ds((j + loc_off) * WIN, WIN)]],
            rows, gsem)

    def fire(dstv, rows, isem, gsem, j):
        @pl.when(j < cnt)
        def _():
            starts(dstv, rows, isem, gsem, j)

    def fire_next(dstv, rows, isem, gsem, ssem, j):
        @pl.when(j < cnt)
        def _():
            pltpu.make_async_copy(rows, acc.at[dstv], ssem).wait()
            starts(dstv, rows, isem, gsem, j)

    def drain(dstv, rows, isem, gsem, ssem, j):
        @pl.when(j < cnt)
        def _():
            w = start_win + j
            k = w // (EK // WIN)
            pltpu.make_async_copy(dst_hbm.at[pl.ds(w * WIN, WIN)],
                                  dstv, isem).wait()
            pltpu.make_async_copy(
                z_hbm.at[k].at[src_loc.at[pl.ds((j + loc_off) * WIN, WIN)]],
                rows, gsem).wait()
            pltpu.async_copy(rows, acc.at[dstv], ssem, add=True)

    fire(dstv0, rows0, isem0, gsem0, 0)
    fire(dstv1, rows1, isem1, gsem1, 1)

    @pl.loop(0, NG)
    def _(g):
        j0 = 2 * g
        drain(dstv0, rows0, isem0, gsem0, ssem0, j0)
        fire_next(dstv0, rows0, isem0, gsem0, ssem0, j0 + 2)
        drain(dstv1, rows1, isem1, gsem1, ssem1, j0 + 1)
        fire_next(dstv1, rows1, isem1, gsem1, ssem1, j0 + 3)

    pltpu.make_async_copy(rows0, acc.at[dstv0], ssem0).wait()
    pltpu.make_async_copy(rows1, acc.at[dstv1], ssem1).wait()

    plsc.subcore_barrier()
    pltpu.sync_copy(acc.at[pl.ds(s * ROWS_UNIF, ROWS_UNIF)],
                    out_hbm.at[c].at[pl.ds(s * ROWS_UNIF, ROWS_UNIF)])

    @pl.when(s == 0)
    def _():
        pltpu.sync_copy(acc.at[pl.ds(TAIL_OFF, TAIL)],
                        out_hbm.at[c].at[pl.ds(TAIL_OFF, TAIL)])



def _bn_coeffs(s, q, g, b):
    mu = s / N
    var = q / N - mu * mu
    rs = g.reshape(1, C) / jnp.sqrt(var + EPS)
    return rs, b.reshape(1, C) - mu * rs


def kernel(x, edge_index, W1, g1, b1, W2, g2, b2):
    src = edge_index[0]
    dst = edge_index[1]
    zeros = jnp.zeros((N, C), jnp.float32)
    w1r = jnp.transpose(W1, (1, 0, 2)).reshape(C, K * C)
    w2r = jnp.transpose(W2, (1, 0, 2)).reshape(C, K * C)

    z1 = _z_from_x(x, w1r)
    p1 = _edge_conv(z1, src, dst, zeros)
    s1, q1 = _stats(p1)
    scale1, shift1 = _bn_coeffs(s1, q1, g1, b1)

    z2 = _z_from_partials(p1, scale1, shift1, w2r)
    p2 = _edge_conv(z2, src, dst, zeros)
    s2, q2 = _stats(p2)
    scale2, shift2 = _bn_coeffs(s2, q2, g2, b2)

    return _final(p2, scale2, shift2, x)

# --- scband reference (transcript-rebuilt; emitter-appended) ---
"""Pipeline reference for scband-sparse-res-block-76673756168769 (READ-ONLY COPY).

The authoritative reference and input builder live on the scoring server;
editing this copy changes nothing except your own understanding.
"""

import jax, jax.numpy as jnp
import numpy as np

N = 10000
C = 128
K = 27  # kernel_size**3 = 3^3 offsets of the sparse 3D conv kernel map
EK = 12000  # edges per kernel offset
E = K * EK
EPS = 1e-5


def setup_inputs(seed: int = 0) -> dict:
    key = jax.random.key(seed)
    k1, k2, k3, k4 = jax.random.split(key, 4)
    x = jax.random.normal(k1, (N, C), dtype=jnp.float32)
    edge_index = jax.random.randint(k2, (2, E), 0, N, dtype=jnp.int32)
    scale = 1.0 / np.sqrt(K * C)
    W1 = jax.random.normal(k3, (K, C, C), dtype=jnp.float32) * scale
    W2 = jax.random.normal(k4, (K, C, C), dtype=jnp.float32) * scale
    g1 = jnp.ones((C,), dtype=jnp.float32)
    b1 = jnp.zeros((C,), dtype=jnp.float32)
    g2 = jnp.ones((C,), dtype=jnp.float32)
    b2 = jnp.zeros((C,), dtype=jnp.float32)
    return {"x": x, "edge_index": edge_index, "W1": W1, "g1": g1, "b1": b1, "W2": W2, "g2": g2, "b2": b2}


def _batch_norm(h, g, b):
    mu = jnp.mean(h, axis=0)
    var = jnp.var(h, axis=0)
    return g * (h - mu) / jnp.sqrt(var + EPS) + b


def _sparse_conv(x, edge_index, W):
    # torchsparse-style submanifold conv executed as grouped gather-GEMM-scatter:
    # edges are grouped by kernel offset (EK edges per offset), each group uses W[k].
    src = edge_index[0].reshape(K, EK)
    xs = x[src]  # gather: [K, EK, C]
    msgs = jnp.einsum('kec,kco->keo', xs, W)  # per-offset GEMM
    out = jax.ops.segment_sum(msgs.reshape(E, C), edge_index[1], num_segments=N)  # scatter-add by dst
    return out


def reference(x, edge_index, W1, g1, b1, W2, g2, b2):
    h = _sparse_conv(x, edge_index, W1)
    h = _batch_norm(h, g1, b1)
    h = jax.nn.relu(h)
    h = _sparse_conv(h, edge_index, W2)
    h = _batch_norm(h, g2, b2)
    # in_channels == out_channels and stride == 1 -> downsample is identity
    return jax.nn.relu(h + x)

if __name__ == "__main__":
    import jax
    _d = setup_inputs()
    print(jax.jit(kernel)(*tuple(_d.values())))

</pallas_src>

<mosaic_0001>
#map = affine_map<(d0, d1) -> (0, 0, 0)>
#map1 = affine_map<(d0, d1) -> (0)>
#map2 = affine_map<(d0, d1) -> (0, 0)>
module attributes {stable_mosaic.version = 14 : i64} {
  func.func @_edge_conv(%arg0: i32, %arg1: i32, %arg2: memref<27x10000x128xf32, #tpu.memory_space<hbm>>, %arg3: memref<324000xi32, #tpu.memory_space<hbm>>, %arg4: memref<324000xi32, #tpu.memory_space<hbm>>, %arg5: memref<10000x128xf32, #tpu.memory_space<hbm>>, %arg6: memref<2x10000x128xf32, #tpu.memory_space<hbm>>, %arg7: memref<10200xi32, #tpu.memory_space<vmem>>, %arg8: memref<120xi32, #tpu.memory_space<vmem>>, %arg9: memref<120xi32, #tpu.memory_space<vmem>>, %arg10: memref<120x128xf32, #tpu.memory_space<vmem>>, %arg11: memref<120x128xf32, #tpu.memory_space<vmem>>, %arg12: memref<10000x128xf32, #tpu.memory_space<vmem_shared>>, %arg13: memref<!tpu.dma_semaphore, #tpu.memory_space<semaphore_mem>>, %arg14: memref<!tpu.dma_semaphore, #tpu.memory_space<semaphore_mem>>, %arg15: memref<!tpu.dma_semaphore, #tpu.memory_space<semaphore_mem>>, %arg16: memref<!tpu.dma_semaphore, #tpu.memory_space<semaphore_mem>>, %arg17: memref<!tpu.dma_semaphore, #tpu.memory_space<semaphore_mem>>, %arg18: memref<!tpu.dma_semaphore, #tpu.memory_space<semaphore_mem>>) attributes {dimension_semantics = [#tpu.dimension_semantics<core_parallel>, #tpu.dimension_semantics<subcore_parallel>], iteration_bounds = array<i64: 2, 16>, scalar_prefetch = 0 : i64, scratch_operands = 12 : i64, tpu.core_type = #tpu.core_type<sc_vector_subcore>, window_params = [{transform_indices = #map}, {transform_indices = #map1}, {transform_indices = #map1}, {transform_indices = #map2}, {transform_indices = #map}]} {
    %mul3A = arith.constant 1350 : i32
    %mul3A_0 = arith.muli %arg0, %mul3A : i32
    %mul3A_1 = arith.constant 84 : i32
    %mul3A_2 = arith.muli %arg1, %mul3A_1 : i32
    %add3A = arith.addi %mul3A_0, %mul3A_2 : i32
    %min3A = arith.constant 6 : i32
    %min3A_3 = arith.minsi %arg1, %min3A : i32
    %add3A_4 = arith.addi %add3A, %min3A_3 : i32
    %lt3A = arith.constant 6 : i32
    %lt3A_5 = arith.cmpi slt, %arg1, %lt3A : i32
    %jit3A = arith.constant 85 : i32
    %jit3A_6 = arith.constant 84 : i32
    %select_n3A = arith.select %lt3A_5, %jit3A, %jit3A_6 : i32
    %min3A_7 = arith.constant 2615 : i32
    %min3A_8 = arith.minsi %add3A_4, %min3A_7 : i32
    %sub3A = arith.subi %add3A_4, %min3A_8 : i32
    %mul3A_9 = arith.constant 120 : i32
    %mul3A_10 = arith.muli %min3A_8, %mul3A_9 : i32
    "tpu.region"() ({
      %run_scoped3A = tpu.sem_alloc : memref<!tpu.dma_semaphore, #tpu.memory_space<semaphore_mem>>
      %dma_start3A = tpu.memref_slice %arg3[%mul3A_10] : memref<324000xi32, #tpu.memory_space<hbm>> -> memref<10200xi32, #tpu.memory_space<hbm>>
      %dma_start3A_45 = tpu.memref_slice %arg3[%mul3A_10] : memref<324000xi32, #tpu.memory_space<hbm>> -> memref<10200xi32, #tpu.memory_space<hbm>>
      tpu.enqueue_dma source(%dma_start3A_45 : memref<10200xi32, #tpu.memory_space<hbm>>) target(%arg7 : memref<10200xi32, #tpu.memory_space<vmem>>) target_semaphore(%run_scoped3A : memref<!tpu.dma_semaphore, #tpu.memory_space<semaphore_mem>>)
      %dma_wait3A_46 = tpu.memref_slice %arg3[%mul3A_10] : memref<324000xi32, #tpu.memory_space<hbm>> -> memref<10200xi32, #tpu.memory_space<hbm>>
      %dma_wait3A_47 = tpu.memref_slice %arg3[%mul3A_10] : memref<324000xi32, #tpu.memory_space<hbm>> -> memref<10200xi32, #tpu.memory_space<hbm>>
      tpu.wait_dma2 semaphore(%run_scoped3A : memref<!tpu.dma_semaphore, #tpu.memory_space<semaphore_mem>>) src(%dma_wait3A_47 : memref<10200xi32, #tpu.memory_space<hbm>>) dst(%arg7 : memref<10200xi32, #tpu.memory_space<vmem>>)
      tpu.yield
    }) : () -> ()
    %mul3A_11 = arith.constant 624 : i32
    %mul3A_12 = arith.muli %arg1, %mul3A_11 : i32
    %mul3A_13 = arith.constant 624 : i32
    %mul3A_14 = arith.muli %arg1, %mul3A_13 : i32
    "tpu.region"() ({
      %run_scoped3A = tpu.sem_alloc : memref<!tpu.dma_semaphore, #tpu.memory_space<semaphore_mem>>
      %dma_start3A = arith.constant 0 : i32
      %dma_start3A_45 = tpu.memref_slice %arg12[%mul3A_14, %dma_start3A] : memref<10000x128xf32, #tpu.memory_space<vmem_shared>> -> memref<624x128xf32, #tpu.memory_space<vmem_shared>>
      %dma_start3A_46 = arith.constant 0 : i32
      %dma_start3A_47 = tpu.memref_slice %arg5[%mul3A_12, %dma_start3A_46] : memref<10000x128xf32, #tpu.memory_space<hbm>> -> memref<624x128xf32, #tpu.memory_space<hbm>>
      tpu.enqueue_dma source(%dma_start3A_47 : memref<624x128xf32, #tpu.memory_space<hbm>>) target(%dma_start3A_45 : memref<624x128xf32, #tpu.memory_space<vmem_shared>>) target_semaphore(%run_scoped3A : memref<!tpu.dma_semaphore, #tpu.memory_space<semaphore_mem>>)
      %dma_wait3A_48 = arith.constant 0 : i32
      %dma_wait3A_49 = tpu.memref_slice %arg12[%mul3A_14, %dma_wait3A_48] : memref<10000x128xf32, #tpu.memory_space<vmem_shared>> -> memref<624x128xf32, #tpu.memory_space<vmem_shared>>
      %dma_wait3A_50 = arith.constant 0 : i32
      %dma_wait3A_51 = tpu.memref_slice %arg5[%mul3A_12, %dma_wait3A_50] : memref<10000x128xf32, #tpu.memory_space<hbm>> -> memref<624x128xf32, #tpu.memory_space<hbm>>
      tpu.wait_dma2 semaphore(%run_scoped3A : memref<!tpu.dma_semaphore, #tpu.memory_space<semaphore_mem>>) src(%dma_wait3A_51 : memref<624x128xf32, #tpu.memory_space<hbm>>) dst(%dma_wait3A_49 : memref<624x128xf32, #tpu.memory_space<vmem_shared>>)
      tpu.yield
    }) : () -> ()
    %eq3A = arith.constant 0 : i32
    %eq3A_15 = arith.cmpi eq, %arg1, %eq3A : i32
    %convert_element_type3A = arith.extui %eq3A_15 : i1 to i32
    %cond3A = arith.constant 0 : i32
    %cond3A_16 = arith.cmpi ne, %convert_element_type3A, %cond3A : i32
    scf.if %cond3A_16 {
      "tpu.region"() ({
        %run_scoped3A = tpu.sem_alloc : memref<!tpu.dma_semaphore, #tpu.memory_space<semaphore_mem>>
        %dma_start3A = arith.constant 9984 : i32
        %dma_start3A_45 = arith.constant 0 : i32
        %dma_start3A_46 = tpu.memref_slice %arg12[%dma_start3A, %dma_start3A_45] : memref<10000x128xf32, #tpu.memory_space<vmem_shared>> -> memref<16x128xf32, #tpu.memory_space<vmem_shared>>
        %dma_start3A_47 = arith.constant 9984 : i32
        %dma_start3A_48 = arith.constant 0 : i32
        %dma_start3A_49 = tpu.memref_slice %arg5[%dma_start3A_47, %dma_start3A_48] : memref<10000x128xf32, #tpu.memory_space<hbm>> -> memref<16x128xf32, #tpu.memory_space<hbm>>
        tpu.enqueue_dma source(%dma_start3A_49 : memref<16x128xf32, #tpu.memory_space<hbm>>) target(%dma_start3A_46 : memref<16x128xf32, #tpu.memory_space<vmem_shared>>) target_semaphore(%run_scoped3A : memref<!tpu.dma_semaphore, #tpu.memory_space<semaphore_mem>>)
        %dma_wait3A_50 = arith.constant 9984 : i32
        %dma_wait3A_51 = arith.constant 0 : i32
        %dma_wait3A_52 = tpu.memref_slice %arg12[%dma_wait3A_50, %dma_wait3A_51] : memref<10000x128xf32, #tpu.memory_space<vmem_shared>> -> memref<16x128xf32, #tpu.memory_space<vmem_shared>>
        %dma_wait3A_53 = arith.constant 9984 : i32
        %dma_wait3A_54 = arith.constant 0 : i32
        %dma_wait3A_55 = tpu.memref_slice %arg5[%dma_wait3A_53, %dma_wait3A_54] : memref<10000x128xf32, #tpu.memory_space<hbm>> -> memref<16x128xf32, #tpu.memory_space<hbm>>
        tpu.wait_dma2 semaphore(%run_scoped3A : memref<!tpu.dma_semaphore, #tpu.memory_space<semaphore_mem>>) src(%dma_wait3A_55 : memref<16x128xf32, #tpu.memory_space<hbm>>) dst(%dma_wait3A_52 : memref<16x128xf32, #tpu.memory_space<vmem_shared>>)
        tpu.yield
      }) : () -> ()
    } else {
    }
    %barrier3A = arith.constant 0 : index
    tpu.barrier barrier_id(%barrier3A)
    %gt3A = arith.constant 0 : i32
    %gt3A_17 = arith.cmpi sgt, %select_n3A, %gt3A : i32
    %convert_element_type3A_18 = arith.extui %gt3A_17 : i1 to i32
    %cond3A_19 = arith.constant 0 : i32
    %cond3A_20 = arith.cmpi ne, %convert_element_type3A_18, %cond3A_19 : i32
    scf.if %cond3A_20 {
      %add3A_45 = arith.constant 0 : i32
      %add3A_46 = arith.addi %add3A_4, %add3A_45 : i32
      %jit3A_47 = arith.constant 100 : i32
      %div3A = arith.divsi %add3A_46, %jit3A_47 : i32
      %sign3A = arith.constant 0 : i32
      %sign3A_48 = arith.cmpi sgt, %add3A_46, %sign3A : i32
      %sign3A_49 = arith.extui %sign3A_48 : i1 to i32
      %sign3A_50 = arith.constant 0 : i32
      %sign3A_51 = arith.cmpi slt, %add3A_46, %sign3A_50 : i32
      %sign3A_52 = arith.extui %sign3A_51 : i1 to i32
      %sign3A_53 = arith.subi %sign3A_49, %sign3A_52 : i32
      %sign3A_54 = arith.constant 0 : i32
      %sign3A_55 = arith.cmpi sgt, %jit3A_47, %sign3A_54 : i32
      %sign3A_56 = arith.extui %sign3A_55 : i1 to i32
      %sign3A_57 = arith.constant 0 : i32
      %sign3A_58 = arith.cmpi slt, %jit3A_47, %sign3A_57 : i32
      %sign3A_59 = arith.extui %sign3A_58 : i1 to i32
      %sign3A_60 = arith.subi %sign3A_56, %sign3A_59 : i32
      %ne3A = arith.cmpi ne, %sign3A_53, %sign3A_60 : i32
      %rem3A = arith.remsi %add3A_46, %jit3A_47 : i32
      %ne3A_61 = arith.constant 0 : i32
      %ne3A_62 = arith.cmpi ne, %rem3A, %ne3A_61 : i32
      %and3A = arith.andi %ne3A, %ne3A_62 : i1
      %sub3A_63 = arith.constant 1 : i32
      %sub3A_64 = arith.subi %div3A, %sub3A_63 : i32
      %select_n3A_65 = arith.select %and3A, %sub3A_64, %div3A : i32
      %mul3A_66 = arith.constant 120 : i32
      %mul3A_67 = arith.muli %add3A_46, %mul3A_66 : i32
      %dma_start3A = tpu.memref_slice %arg4[%mul3A_67] : memref<324000xi32, #tpu.memory_space<hbm>> -> memref<120xi32, #tpu.memory_space<hbm>>
      %dma_start3A_68 = tpu.memref_slice %arg4[%mul3A_67] : memref<324000xi32, #tpu.memory_space<hbm>> -> memref<120xi32, #tpu.memory_space<hbm>>
      tpu.enqueue_dma source(%dma_start3A_68 : memref<120xi32, #tpu.memory_space<hbm>>) target(%arg8 : memref<120xi32, #tpu.memory_space<vmem>>) target_semaphore(%arg13 : memref<!tpu.dma_semaphore, #tpu.memory_space<semaphore_mem>>)
      %add3A_69 = arith.constant 0 : i32
      %add3A_70 = arith.addi %add3A_69, %sub3A : i32
      %mul3A_71 = arith.constant 120 : i32
      %mul3A_72 = arith.muli %add3A_70, %mul3A_71 : i32
      %dma_start3A_73 = tpu.memref_slice %arg7[%mul3A_72] : memref<10200xi32, #tpu.memory_space<vmem>> -> memref<120xi32, #tpu.memory_space<vmem>>
      %dma_start3A_74 = arith.constant 0 : i32
      %dma_start3A_75 = arith.constant 0 : i32
      %dma_start3A_76 = tpu.memref_slice %arg2[%select_n3A_65, %dma_start3A_74, %dma_start3A_75] : memref<27x10000x128xf32, #tpu.memory_space<hbm>> -> memref<1x10000x128xf32, #tpu.memory_space<hbm>>
      %dma_start3A_77 = tpu.memref_squeeze %dma_start3A_76 : memref<1x10000x128xf32, #tpu.memory_space<hbm>> -> memref<10000x128xf32, #tpu.memory_space<hbm>>
      %dma_start3A_78 = arith.constant 0 : i32
      %dma_start3A_79 = arith.constant 0 : i32
      %dma_start3A_80 = tpu.memref_slice %dma_start3A_77[%dma_start3A_78, %dma_start3A_79] : memref<10000x128xf32, #tpu.memory_space<hbm>> -> memref<10000x128xf32, #tpu.memory_space<hbm>>
      tpu.enqueue_indirect_dma source(%dma_start3A_80 : memref<10000x128xf32, #tpu.memory_space<hbm>>) target(%arg10 : memref<120x128xf32, #tpu.memory_space<vmem>>) offsets(%dma_start3A_73 : memref<120xi32, #tpu.memory_space<vmem>>) semaphore(%arg15 : memref<!tpu.dma_semaphore, #tpu.memory_space<semaphore_mem>>)
    } else {
    }
    %gt3A_21 = arith.constant 1 : i32
    %gt3A_22 = arith.cmpi sgt, %select_n3A, %gt3A_21 : i32
    %convert_element_type3A_23 = arith.extui %gt3A_22 : i1 to i32
    %cond3A_24 = arith.constant 0 : i32
    %cond3A_25 = arith.cmpi ne, %convert_element_type3A_23, %cond3A_24 : i32
    scf.if %cond3A_25 {
      %add3A_45 = arith.constant 1 : i32
      %add3A_46 = arith.addi %add3A_4, %add3A_45 : i32
      %jit3A_47 = arith.constant 100 : i32
      %div3A = arith.divsi %add3A_46, %jit3A_47 : i32
      %sign3A = arith.constant 0 : i32
      %sign3A_48 = arith.cmpi sgt, %add3A_46, %sign3A : i32
      %sign3A_49 = arith.extui %sign3A_48 : i1 to i32
      %sign3A_50 = arith.constant 0 : i32
      %sign3A_51 = arith.cmpi slt, %add3A_46, %sign3A_50 : i32
      %sign3A_52 = arith.extui %sign3A_51 : i1 to i32
      %sign3A_53 = arith.subi %sign3A_49, %sign3A_52 : i32
      %sign3A_54 = arith.constant 0 : i32
      %sign3A_55 = arith.cmpi sgt, %jit3A_47, %sign3A_54 : i32
      %sign3A_56 = arith.extui %sign3A_55 : i1 to i32
      %sign3A_57 = arith.constant 0 : i32
      %sign3A_58 = arith.cmpi slt, %jit3A_47, %sign3A_57 : i32
      %sign3A_59 = arith.extui %sign3A_58 : i1 to i32
      %sign3A_60 = arith.subi %sign3A_56, %sign3A_59 : i32
      %ne3A = arith.cmpi ne, %sign3A_53, %sign3A_60 : i32
      %rem3A = arith.remsi %add3A_46, %jit3A_47 : i32
      %ne3A_61 = arith.constant 0 : i32
      %ne3A_62 = arith.cmpi ne, %rem3A, %ne3A_61 : i32
      %and3A = arith.andi %ne3A, %ne3A_62 : i1
      %sub3A_63 = arith.constant 1 : i32
      %sub3A_64 = arith.subi %div3A, %sub3A_63 : i32
      %select_n3A_65 = arith.select %and3A, %sub3A_64, %div3A : i32
      %mul3A_66 = arith.constant 120 : i32
      %mul3A_67 = arith.muli %add3A_46, %mul3A_66 : i32
      %dma_start3A = tpu.memref_slice %arg4[%mul3A_67] : memref<324000xi32, #tpu.memory_space<hbm>> -> memref<120xi32, #tpu.memory_space<hbm>>
      %dma_start3A_68 = tpu.memref_slice %arg4[%mul3A_67] : memref<324000xi32, #tpu.memory_space<hbm>> -> memref<120xi32, #tpu.memory_space<hbm>>
      tpu.enqueue_dma source(%dma_start3A_68 : memref<120xi32, #tpu.memory_space<hbm>>) target(%arg9 : memref<120xi32, #tpu.memory_space<vmem>>) target_semaphore(%arg14 : memref<!tpu.dma_semaphore, #tpu.memory_space<semaphore_mem>>)
      %add3A_69 = arith.constant 1 : i32
      %add3A_70 = arith.addi %add3A_69, %sub3A : i32
      %mul3A_71 = arith.constant 120 : i32
      %mul3A_72 = arith.muli %add3A_70, %mul3A_71 : i32
      %dma_start3A_73 = tpu.memref_slice %arg7[%mul3A_72] : memref<10200xi32, #tpu.memory_space<vmem>> -> memref<120xi32, #tpu.memory_space<vmem>>
      %dma_start3A_74 = arith.constant 0 : i32
      %dma_start3A_75 = arith.constant 0 : i32
      %dma_start3A_76 = tpu.memref_slice %arg2[%select_n3A_65, %dma_start3A_74, %dma_start3A_75] : memref<27x10000x128xf32, #tpu.memory_space<hbm>> -> memref<1x10000x128xf32, #tpu.memory_space<hbm>>
      %dma_start3A_77 = tpu.memref_squeeze %dma_start3A_76 : memref<1x10000x128xf32, #tpu.memory_space<hbm>> -> memref<10000x128xf32, #tpu.memory_space<hbm>>
      %dma_start3A_78 = arith.constant 0 : i32
      %dma_start3A_79 = arith.constant 0 : i32
      %dma_start3A_80 = tpu.memref_slice %dma_start3A_77[%dma_start3A_78, %dma_start3A_79] : memref<10000x128xf32, #tpu.memory_space<hbm>> -> memref<10000x128xf32, #tpu.memory_space<hbm>>
      tpu.enqueue_indirect_dma source(%dma_start3A_80 : memref<10000x128xf32, #tpu.memory_space<hbm>>) target(%arg11 : memref<120x128xf32, #tpu.memory_space<vmem>>) offsets(%dma_start3A_73 : memref<120xi32, #tpu.memory_space<vmem>>) semaphore(%arg16 : memref<!tpu.dma_semaphore, #tpu.memory_space<semaphore_mem>>)
    } else {
    }
    %scan3A = arith.constant 0 : i32
    %scan3A_26 = arith.constant 43 : i32
    %scan3A_27 = arith.addi %scan3A, %scan3A_26 : i32
    %scan3A_28 = arith.constant 1 : i32
    scf.for %scan3A_45 = %scan3A to %scan3A_27 step %scan3A_28  : i32 {
      %mul3A_46 = arith.constant 1 : i32
      %mul3A_47 = arith.muli %scan3A_45, %mul3A_46 : i32
      %add3A_48 = arith.constant 0 : i32
      %add3A_49 = arith.addi %add3A_48, %mul3A_47 : i32
      %mul3A_50 = arith.constant 2 : i32
      %mul3A_51 = arith.muli %mul3A_50, %add3A_49 : i32
      %lt3A_52 = arith.cmpi slt, %mul3A_51, %select_n3A : i32
      %convert_element_type3A_53 = arith.extui %lt3A_52 : i1 to i32
      %cond3A_54 = arith.constant 0 : i32
      %cond3A_55 = arith.cmpi ne, %convert_element_type3A_53, %cond3A_54 : i32
      scf.if %cond3A_55 {
        %add3A_74 = arith.addi %add3A_4, %mul3A_51 : i32
        %jit3A_75 = arith.constant 100 : i32
        %div3A = arith.divsi %add3A_74, %jit3A_75 : i32
        %sign3A = arith.constant 0 : i32
        %sign3A_76 = arith.cmpi sgt, %add3A_74, %sign3A : i32
        %sign3A_77 = arith.extui %sign3A_76 : i1 to i32
        %sign3A_78 = arith.constant 0 : i32
        %sign3A_79 = arith.cmpi slt, %add3A_74, %sign3A_78 : i32
        %sign3A_80 = arith.extui %sign3A_79 : i1 to i32
        %sign3A_81 = arith.subi %sign3A_77, %sign3A_80 : i32
        %sign3A_82 = arith.constant 0 : i32
        %sign3A_83 = arith.cmpi sgt, %jit3A_75, %sign3A_82 : i32
        %sign3A_84 = arith.extui %sign3A_83 : i1 to i32
        %sign3A_85 = arith.constant 0 : i32
        %sign3A_86 = arith.cmpi slt, %jit3A_75, %sign3A_85 : i32
        %sign3A_87 = arith.extui %sign3A_86 : i1 to i32
        %sign3A_88 = arith.subi %sign3A_84, %sign3A_87 : i32
        %ne3A = arith.cmpi ne, %sign3A_81, %sign3A_88 : i32
        %rem3A = arith.remsi %add3A_74, %jit3A_75 : i32
        %ne3A_89 = arith.constant 0 : i32
        %ne3A_90 = arith.cmpi ne, %rem3A, %ne3A_89 : i32
        %and3A = arith.andi %ne3A, %ne3A_90 : i1
        %sub3A_91 = arith.constant 1 : i32
        %sub3A_92 = arith.subi %div3A, %sub3A_91 : i32
        %select_n3A_93 = arith.select %and3A, %sub3A_92, %div3A : i32
        %mul3A_94 = arith.constant 120 : i32
        %mul3A_95 = arith.muli %add3A_74, %mul3A_94 : i32
        %dma_wait3A_96 = tpu.memref_slice %arg4[%mul3A_95] : memref<324000xi32, #tpu.memory_space<hbm>> -> memref<120xi32, #tpu.memory_space<hbm>>
        %dma_wait3A_97 = tpu.memref_slice %arg4[%mul3A_95] : memref<324000xi32, #tpu.memory_space<hbm>> -> memref<120xi32, #tpu.memory_space<hbm>>
        tpu.wait_dma2 semaphore(%arg13 : memref<!tpu.dma_semaphore, #tpu.memory_space<semaphore_mem>>) src(%dma_wait3A_97 : memref<120xi32, #tpu.memory_space<hbm>>) dst(%arg8 : memref<120xi32, #tpu.memory_space<vmem>>)
        %add3A_98 = arith.addi %mul3A_51, %sub3A : i32
        %mul3A_99 = arith.constant 120 : i32
        %mul3A_100 = arith.muli %add3A_98, %mul3A_99 : i32
        %dma_wait3A_101 = tpu.memref_slice %arg7[%mul3A_100] : memref<10200xi32, #tpu.memory_space<vmem>> -> memref<120xi32, #tpu.memory_space<vmem>>
        %dma_wait3A_102 = arith.constant 0 : i32
        %dma_wait3A_103 = arith.constant 0 : i32
        %dma_wait3A_104 = tpu.memref_slice %arg2[%select_n3A_93, %dma_wait3A_102, %dma_wait3A_103] : memref<27x10000x128xf32, #tpu.memory_space<hbm>> -> memref<1x10000x128xf32, #tpu.memory_space<hbm>>
        %dma_wait3A_105 = tpu.memref_squeeze %dma_wait3A_104 : memref<1x10000x128xf32, #tpu.memory_space<hbm>> -> memref<10000x128xf32, #tpu.memory_space<hbm>>
        %dma_wait3A_106 = arith.constant 0 : i32
        %dma_wait3A_107 = arith.constant 0 : i32
        %dma_wait3A_108 = tpu.memref_slice %dma_wait3A_105[%dma_wait3A_106, %dma_wait3A_107] : memref<10000x128xf32, #tpu.memory_space<hbm>> -> memref<10000x128xf32, #tpu.memory_space<hbm>>
        tpu.wait_indirect_dma semaphore(%arg15 : memref<!tpu.dma_semaphore, #tpu.memory_space<semaphore_mem>>) src(%dma_wait3A_108 : memref<10000x128xf32, #tpu.memory_space<hbm>>) dst(%arg10 : memref<120x128xf32, #tpu.memory_space<vmem>>)
        %dma_start3A = arith.constant 0 : i32
        %dma_start3A_109 = arith.constant 0 : i32
        %dma_start3A_110 = tpu.memref_slice %arg12[%dma_start3A, %dma_start3A_109] : memref<10000x128xf32, #tpu.memory_space<vmem_shared>> -> memref<10000x128xf32, #tpu.memory_space<vmem_shared>>
        tpu.enqueue_indirect_dma source(%arg10 : memref<120x128xf32, #tpu.memory_space<vmem>>) target(%dma_start3A_110 : memref<10000x128xf32, #tpu.memory_space<vmem_shared>>) offsets(%arg8 : memref<120xi32, #tpu.memory_space<vmem>>) semaphore(%arg17 : memref<!tpu.dma_semaphore, #tpu.memory_space<semaphore_mem>>) {add = true}
      } else {
      }
      %add3A_56 = arith.constant 2 : i32
      %add3A_57 = arith.addi %mul3A_51, %add3A_56 : i32
      %lt3A_58 = arith.cmpi slt, %add3A_57, %select_n3A : i32
      %convert_element_type3A_59 = arith.extui %lt3A_58 : i1 to i32
      %cond3A_60 = arith.constant 0 : i32
      %cond3A_61 = arith.cmpi ne, %convert_element_type3A_59, %cond3A_60 : i32
      scf.if %cond3A_61 {
        %dma_wait3A_74 = arith.constant 0 : i32
        %dma_wait3A_75 = arith.constant 0 : i32
        %dma_wait3A_76 = tpu.memref_slice %arg12[%dma_wait3A_74, %dma_wait3A_75] : memref<10000x128xf32, #tpu.memory_space<vmem_shared>> -> memref<10000x128xf32, #tpu.memory_space<vmem_shared>>
        tpu.wait_indirect_dma semaphore(%arg17 : memref<!tpu.dma_semaphore, #tpu.memory_space<semaphore_mem>>) src(%arg10 : memref<120x128xf32, #tpu.memory_space<vmem>>) dst(%dma_wait3A_76 : memref<10000x128xf32, #tpu.memory_space<vmem_shared>>)
        %add3A_77 = arith.addi %add3A_4, %add3A_57 : i32
        %jit3A_78 = arith.constant 100 : i32
        %div3A = arith.divsi %add3A_77, %jit3A_78 : i32
        %sign3A = arith.constant 0 : i32
        %sign3A_79 = arith.cmpi sgt, %add3A_77, %sign3A : i32
        %sign3A_80 = arith.extui %sign3A_79 : i1 to i32
        %sign3A_81 = arith.constant 0 : i32
        %sign3A_82 = arith.cmpi slt, %add3A_77, %sign3A_81 : i32
        %sign3A_83 = arith.extui %sign3A_82 : i1 to i32
        %sign3A_84 = arith.subi %sign3A_80, %sign3A_83 : i32
        %sign3A_85 = arith.constant 0 : i32
        %sign3A_86 = arith.cmpi sgt, %jit3A_78, %sign3A_85 : i32
        %sign3A_87 = arith.extui %sign3A_86 : i1 to i32
        %sign3A_88 = arith.constant 0 : i32
        %sign3A_89 = arith.cmpi slt, %jit3A_78, %sign3A_88 : i32
        %sign3A_90 = arith.extui %sign3A_89 : i1 to i32
        %sign3A_91 = arith.subi %sign3A_87, %sign3A_90 : i32
        %ne3A = arith.cmpi ne, %sign3A_84, %sign3A_91 : i32
        %rem3A = arith.remsi %add3A_77, %jit3A_78 : i32
        %ne3A_92 = arith.constant 0 : i32
        %ne3A_93 = arith.cmpi ne, %rem3A, %ne3A_92 : i32
        %and3A = arith.andi %ne3A, %ne3A_93 : i1
        %sub3A_94 = arith.constant 1 : i32
        %sub3A_95 = arith.subi %div3A, %sub3A_94 : i32
        %select_n3A_96 = arith.select %and3A, %sub3A_95, %div3A : i32
        %mul3A_97 = arith.constant 120 : i32
        %mul3A_98 = arith.muli %add3A_77, %mul3A_97 : i32
        %dma_start3A = tpu.memref_slice %arg4[%mul3A_98] : memref<324000xi32, #tpu.memory_space<hbm>> -> memref<120xi32, #tpu.memory_space<hbm>>
        %dma_start3A_99 = tpu.memref_slice %arg4[%mul3A_98] : memref<324000xi32, #tpu.memory_space<hbm>> -> memref<120xi32, #tpu.memory_space<hbm>>
        tpu.enqueue_dma source(%dma_start3A_99 : memref<120xi32, #tpu.memory_space<hbm>>) target(%arg8 : memref<120xi32, #tpu.memory_space<vmem>>) target_semaphore(%arg13 : memref<!tpu.dma_semaphore, #tpu.memory_space<semaphore_mem>>)
        %add3A_100 = arith.addi %add3A_57, %sub3A : i32
        %mul3A_101 = arith.constant 120 : i32
        %mul3A_102 = arith.muli %add3A_100, %mul3A_101 : i32
        %dma_start3A_103 = tpu.memref_slice %arg7[%mul3A_102] : memref<10200xi32, #tpu.memory_space<vmem>> -> memref<120xi32, #tpu.memory_space<vmem>>
        %dma_start3A_104 = arith.constant 0 : i32
        %dma_start3A_105 = arith.constant 0 : i32
        %dma_start3A_106 = tpu.memref_slice %arg2[%select_n3A_96, %dma_start3A_104, %dma_start3A_105] : memref<27x10000x128xf32, #tpu.memory_space<hbm>> -> memref<1x10000x128xf32, #tpu.memory_space<hbm>>
        %dma_start3A_107 = tpu.memref_squeeze %dma_start3A_106 : memref<1x10000x128xf32, #tpu.memory_space<hbm>> -> memref<10000x128xf32, #tpu.memory_space<hbm>>
        %dma_start3A_108 = arith.constant 0 : i32
        %dma_start3A_109 = arith.constant 0 : i32
        %dma_start3A_110 = tpu.memref_slice %dma_start3A_107[%dma_start3A_108, %dma_start3A_109] : memref<10000x128xf32, #tpu.memory_space<hbm>> -> memref<10000x128xf32, #tpu.memory_space<hbm>>
        tpu.enqueue_indirect_dma source(%dma_start3A_110 : memref<10000x128xf32, #tpu.memory_space<hbm>>) target(%arg10 : memref<120x128xf32, #tpu.memory_space<vmem>>) offsets(%dma_start3A_103 : memref<120xi32, #tpu.memory_space<vmem>>) semaphore(%arg15 : memref<!tpu.dma_semaphore, #tpu.memory_space<semaphore_mem>>)
      } else {
      }
      %add3A_62 = arith.constant 1 : i32
      %add3A_63 = arith.addi %mul3A_51, %add3A_62 : i32
      %lt3A_64 = arith.cmpi slt, %add3A_63, %select_n3A : i32
      %convert_element_type3A_65 = arith.extui %lt3A_64 : i1 to i32
      %cond3A_66 = arith.constant 0 : i32
      %cond3A_67 = arith.cmpi ne, %convert_element_type3A_65, %cond3A_66 : i32
      scf.if %cond3A_67 {
        %add3A_74 = arith.addi %add3A_4, %add3A_63 : i32
        %jit3A_75 = arith.constant 100 : i32
        %div3A = arith.divsi %add3A_74, %jit3A_75 : i32
        %sign3A = arith.constant 0 : i32
        %sign3A_76 = arith.cmpi sgt, %add3A_74, %sign3A : i32
        %sign3A_77 = arith.extui %sign3A_76 : i1 to i32
        %sign3A_78 = arith.constant 0 : i32
        %sign3A_79 = arith.cmpi slt, %add3A_74, %sign3A_78 : i32
        %sign3A_80 = arith.extui %sign3A_79 : i1 to i32
        %sign3A_81 = arith.subi %sign3A_77, %sign3A_80 : i32
        %sign3A_82 = arith.constant 0 : i32
        %sign3A_83 = arith.cmpi sgt, %jit3A_75, %sign3A_82 : i32
        %sign3A_84 = arith.extui %sign3A_83 : i1 to i32
        %sign3A_85 = arith.constant 0 : i32
        %sign3A_86 = arith.cmpi slt, %jit3A_75, %sign3A_85 : i32
        %sign3A_87 = arith.extui %sign3A_86 : i1 to i32
        %sign3A_88 = arith.subi %sign3A_84, %sign3A_87 : i32
        %ne3A = arith.cmpi ne, %sign3A_81, %sign3A_88 : i32
        %rem3A = arith.remsi %add3A_74, %jit3A_75 : i32
        %ne3A_89 = arith.constant 0 : i32
        %ne3A_90 = arith.cmpi ne, %rem3A, %ne3A_89 : i32
        %and3A = arith.andi %ne3A, %ne3A_90 : i1
        %sub3A_91 = arith.constant 1 : i32
        %sub3A_92 = arith.subi %div3A, %sub3A_91 : i32
        %select_n3A_93 = arith.select %and3A, %sub3A_92, %div3A : i32
        %mul3A_94 = arith.constant 120 : i32
        %mul3A_95 = arith.muli %add3A_74, %mul3A_94 : i32
        %dma_wait3A_96 = tpu.memref_slice %arg4[%mul3A_95] : memref<324000xi32, #tpu.memory_space<hbm>> -> memref<120xi32, #tpu.memory_space<hbm>>
        %dma_wait3A_97 = tpu.memref_slice %arg4[%mul3A_95] : memref<324000xi32, #tpu.memory_space<hbm>> -> memref<120xi32, #tpu.memory_space<hbm>>
        tpu.wait_dma2 semaphore(%arg14 : memref<!tpu.dma_semaphore, #tpu.memory_space<semaphore_mem>>) src(%dma_wait3A_97 : memref<120xi32, #tpu.memory_space<hbm>>) dst(%arg9 : memref<120xi32, #tpu.memory_space<vmem>>)
        %add3A_98 = arith.addi %add3A_63, %sub3A : i32
        %mul3A_99 = arith.constant 120 : i32
        %mul3A_100 = arith.muli %add3A_98, %mul3A_99 : i32
        %dma_wait3A_101 = tpu.memref_slice %arg7[%mul3A_100] : memref<10200xi32, #tpu.memory_space<vmem>> -> memref<120xi32, #tpu.memory_space<vmem>>
        %dma_wait3A_102 = arith.constant 0 : i32
        %dma_wait3A_103 = arith.constant 0 : i32
        %dma_wait3A_104 = tpu.memref_slice %arg2[%select_n3A_93, %dma_wait3A_102, %dma_wait3A_103] : memref<27x10000x128xf32, #tpu.memory_space<hbm>> -> memref<1x10000x128xf32, #tpu.memory_space<hbm>>
        %dma_wait3A_105 = tpu.memref_squeeze %dma_wait3A_104 : memref<1x10000x128xf32, #tpu.memory_space<hbm>> -> memref<10000x128xf32, #tpu.memory_space<hbm>>
        %dma_wait3A_106 = arith.constant 0 : i32
        %dma_wait3A_107 = arith.constant 0 : i32
        %dma_wait3A_108 = tpu.memref_slice %dma_wait3A_105[%dma_wait3A_106, %dma_wait3A_107] : memref<10000x128xf32, #tpu.memory_space<hbm>> -> memref<10000x128xf32, #tpu.memory_space<hbm>>
        tpu.wait_indirect_dma semaphore(%arg16 : memref<!tpu.dma_semaphore, #tpu.memory_space<semaphore_mem>>) src(%dma_wait3A_108 : memref<10000x128xf32, #tpu.memory_space<hbm>>) dst(%arg11 : memref<120x128xf32, #tpu.memory_space<vmem>>)
        %dma_start3A = arith.constant 0 : i32
        %dma_start3A_109 = arith.constant 0 : i32
        %dma_start3A_110 = tpu.memref_slice %arg12[%dma_start3A, %dma_start3A_109] : memref<10000x128xf32, #tpu.memory_space<vmem_shared>> -> memref<10000x128xf32, #tpu.memory_space<vmem_shared>>
        tpu.enqueue_indirect_dma source(%arg11 : memref<120x128xf32, #tpu.memory_space<vmem>>) target(%dma_start3A_110 : memref<10000x128xf32, #tpu.memory_space<vmem_shared>>) offsets(%arg9 : memref<120xi32, #tpu.memory_space<vmem>>) semaphore(%arg18 : memref<!tpu.dma_semaphore, #tpu.memory_space<semaphore_mem>>) {add = true}
      } else {
      }
      %add3A_68 = arith.constant 3 : i32
      %add3A_69 = arith.addi %mul3A_51, %add3A_68 : i32
      %lt3A_70 = arith.cmpi slt, %add3A_69, %select_n3A : i32
      %convert_element_type3A_71 = arith.extui %lt3A_70 : i1 to i32
      %cond3A_72 = arith.constant 0 : i32
      %cond3A_73 = arith.cmpi ne, %convert_element_type3A_71, %cond3A_72 : i32
      scf.if %cond3A_73 {
        %dma_wait3A_74 = arith.constant 0 : i32
        %dma_wait3A_75 = arith.constant 0 : i32
        %dma_wait3A_76 = tpu.memref_slice %arg12[%dma_wait3A_74, %dma_wait3A_75] : memref<10000x128xf32, #tpu.memory_space<vmem_shared>> -> memref<10000x128xf32, #tpu.memory_space<vmem_shared>>
        tpu.wait_indirect_dma semaphore(%arg18 : memref<!tpu.dma_semaphore, #tpu.memory_space<semaphore_mem>>) src(%arg11 : memref<120x128xf32, #tpu.memory_space<vmem>>) dst(%dma_wait3A_76 : memref<10000x128xf32, #tpu.memory_space<vmem_shared>>)
        %add3A_77 = arith.addi %add3A_4, %add3A_69 : i32
        %jit3A_78 = arith.constant 100 : i32
        %div3A = arith.divsi %add3A_77, %jit3A_78 : i32
        %sign3A = arith.constant 0 : i32
        %sign3A_79 = arith.cmpi sgt, %add3A_77, %sign3A : i32
        %sign3A_80 = arith.extui %sign3A_79 : i1 to i32
        %sign3A_81 = arith.constant 0 : i32
        %sign3A_82 = arith.cmpi slt, %add3A_77, %sign3A_81 : i32
        %sign3A_83 = arith.extui %sign3A_82 : i1 to i32
        %sign3A_84 = arith.subi %sign3A_80, %sign3A_83 : i32
        %sign3A_85 = arith.constant 0 : i32
        %sign3A_86 = arith.cmpi sgt, %jit3A_78, %sign3A_85 : i32
        %sign3A_87 = arith.extui %sign3A_86 : i1 to i32
        %sign3A_88 = arith.constant 0 : i32
        %sign3A_89 = arith.cmpi slt, %jit3A_78, %sign3A_88 : i32
        %sign3A_90 = arith.extui %sign3A_89 : i1 to i32
        %sign3A_91 = arith.subi %sign3A_87, %sign3A_90 : i32
        %ne3A = arith.cmpi ne, %sign3A_84, %sign3A_91 : i32
        %rem3A = arith.remsi %add3A_77, %jit3A_78 : i32
        %ne3A_92 = arith.constant 0 : i32
        %ne3A_93 = arith.cmpi ne, %rem3A, %ne3A_92 : i32
        %and3A = arith.andi %ne3A, %ne3A_93 : i1
        %sub3A_94 = arith.constant 1 : i32
        %sub3A_95 = arith.subi %div3A, %sub3A_94 : i32
        %select_n3A_96 = arith.select %and3A, %sub3A_95, %div3A : i32
        %mul3A_97 = arith.constant 120 : i32
        %mul3A_98 = arith.muli %add3A_77, %mul3A_97 : i32
        %dma_start3A = tpu.memref_slice %arg4[%mul3A_98] : memref<324000xi32, #tpu.memory_space<hbm>> -> memref<120xi32, #tpu.memory_space<hbm>>
        %dma_start3A_99 = tpu.memref_slice %arg4[%mul3A_98] : memref<324000xi32, #tpu.memory_space<hbm>> -> memref<120xi32, #tpu.memory_space<hbm>>
        tpu.enqueue_dma source(%dma_start3A_99 : memref<120xi32, #tpu.memory_space<hbm>>) target(%arg9 : memref<120xi32, #tpu.memory_space<vmem>>) target_semaphore(%arg14 : memref<!tpu.dma_semaphore, #tpu.memory_space<semaphore_mem>>)
        %add3A_100 = arith.addi %add3A_69, %sub3A : i32
        %mul3A_101 = arith.constant 120 : i32
        %mul3A_102 = arith.muli %add3A_100, %mul3A_101 : i32
        %dma_start3A_103 = tpu.memref_slice %arg7[%mul3A_102] : memref<10200xi32, #tpu.memory_space<vmem>> -> memref<120xi32, #tpu.memory_space<vmem>>
        %dma_start3A_104 = arith.constant 0 : i32
        %dma_start3A_105 = arith.constant 0 : i32
        %dma_start3A_106 = tpu.memref_slice %arg2[%select_n3A_96, %dma_start3A_104, %dma_start3A_105] : memref<27x10000x128xf32, #tpu.memory_space<hbm>> -> memref<1x10000x128xf32, #tpu.memory_space<hbm>>
        %dma_start3A_107 = tpu.memref_squeeze %dma_start3A_106 : memref<1x10000x128xf32, #tpu.memory_space<hbm>> -> memref<10000x128xf32, #tpu.memory_space<hbm>>
        %dma_start3A_108 = arith.constant 0 : i32
        %dma_start3A_109 = arith.constant 0 : i32
        %dma_start3A_110 = tpu.memref_slice %dma_start3A_107[%dma_start3A_108, %dma_start3A_109] : memref<10000x128xf32, #tpu.memory_space<hbm>> -> memref<10000x128xf32, #tpu.memory_space<hbm>>
        tpu.enqueue_indirect_dma source(%dma_start3A_110 : memref<10000x128xf32, #tpu.memory_space<hbm>>) target(%arg11 : memref<120x128xf32, #tpu.memory_space<vmem>>) offsets(%dma_start3A_103 : memref<120xi32, #tpu.memory_space<vmem>>) semaphore(%arg16 : memref<!tpu.dma_semaphore, #tpu.memory_space<semaphore_mem>>)
      } else {
      }
    }
    %scan3A_29 = arith.constant 43 : i32
    %dma_wait3A = arith.constant 0 : i32
    %dma_wait3A_30 = arith.constant 0 : i32
    %dma_wait3A_31 = tpu.memref_slice %arg12[%dma_wait3A, %dma_wait3A_30] : memref<10000x128xf32, #tpu.memory_space<vmem_shared>> -> memref<10000x128xf32, #tpu.memory_space<vmem_shared>>
    tpu.wait_indirect_dma semaphore(%arg17 : memref<!tpu.dma_semaphore, #tpu.memory_space<semaphore_mem>>) src(%arg10 : memref<120x128xf32, #tpu.memory_space<vmem>>) dst(%dma_wait3A_31 : memref<10000x128xf32, #tpu.memory_space<vmem_shared>>)
    %dma_wait3A_32 = arith.constant 0 : i32
    %dma_wait3A_33 = arith.constant 0 : i32
    %dma_wait3A_34 = tpu.memref_slice %arg12[%dma_wait3A_32, %dma_wait3A_33] : memref<10000x128xf32, #tpu.memory_space<vmem_shared>> -> memref<10000x128xf32, #tpu.memory_space<vmem_shared>>
    tpu.wait_indirect_dma semaphore(%arg18 : memref<!tpu.dma_semaphore, #tpu.memory_space<semaphore_mem>>) src(%arg11 : memref<120x128xf32, #tpu.memory_space<vmem>>) dst(%dma_wait3A_34 : memref<10000x128xf32, #tpu.memory_space<vmem_shared>>)
    %barrier3A_35 = arith.constant 0 : index
    tpu.barrier barrier_id(%barrier3A_35)
    %mul3A_36 = arith.constant 624 : i32
    %mul3A_37 = arith.muli %arg1, %mul3A_36 : i32
    %mul3A_38 = arith.constant 624 : i32
    %mul3A_39 = arith.muli %arg1, %mul3A_38 : i32
    "tpu.region"() ({
      %run_scoped3A = tpu.sem_alloc : memref<!tpu.dma_semaphore, #tpu.memory_space<semaphore_mem>>
      %dma_start3A = arith.constant 0 : i32
      %dma_start3A_45 = arith.constant 0 : i32
      %dma_start3A_46 = tpu.memref_slice %arg6[%arg0, %dma_start3A, %dma_start3A_45] : memref<2x10000x128xf32, #tpu.memory_space<hbm>> -> memref<1x10000x128xf32, #tpu.memory_space<hbm>>
      %dma_start3A_47 = tpu.memref_squeeze %dma_start3A_46 : memref<1x10000x128xf32, #tpu.memory_space<hbm>> -> memref<10000x128xf32, #tpu.memory_space<hbm>>
      %dma_start3A_48 = arith.constant 0 : i32
      %dma_start3A_49 = tpu.memref_slice %dma_start3A_47[%mul3A_39, %dma_start3A_48] : memref<10000x128xf32, #tpu.memory_space<hbm>> -> memref<624x128xf32, #tpu.memory_space<hbm>>
      %dma_start3A_50 = arith.constant 0 : i32
      %dma_start3A_51 = tpu.memref_slice %arg12[%mul3A_37, %dma_start3A_50] : memref<10000x128xf32, #tpu.memory_space<vmem_shared>> -> memref<624x128xf32, #tpu.memory_space<vmem_shared>>
      tpu.enqueue_dma source(%dma_start3A_51 : memref<624x128xf32, #tpu.memory_space<vmem_shared>>) target(%dma_start3A_49 : memref<624x128xf32, #tpu.memory_space<hbm>>) target_semaphore(%run_scoped3A : memref<!tpu.dma_semaphore, #tpu.memory_space<semaphore_mem>>)
      %dma_wait3A_52 = arith.constant 0 : i32
      %dma_wait3A_53 = arith.constant 0 : i32
      %dma_wait3A_54 = tpu.memref_slice %arg6[%arg0, %dma_wait3A_52, %dma_wait3A_53] : memref<2x10000x128xf32, #tpu.memory_space<hbm>> -> memref<1x10000x128xf32, #tpu.memory_space<hbm>>
      %dma_wait3A_55 = tpu.memref_squeeze %dma_wait3A_54 : memref<1x10000x128xf32, #tpu.memory_space<hbm>> -> memref<10000x128xf32, #tpu.memory_space<hbm>>
      %dma_wait3A_56 = arith.constant 0 : i32
      %dma_wait3A_57 = tpu.memref_slice %dma_wait3A_55[%mul3A_39, %dma_wait3A_56] : memref<10000x128xf32, #tpu.memory_space<hbm>> -> memref<624x128xf32, #tpu.memory_space<hbm>>
      %dma_wait3A_58 = arith.constant 0 : i32
      %dma_wait3A_59 = tpu.memref_slice %arg12[%mul3A_37, %dma_wait3A_58] : memref<10000x128xf32, #tpu.memory_space<vmem_shared>> -> memref<624x128xf32, #tpu.memory_space<vmem_shared>>
      tpu.wait_dma2 semaphore(%run_scoped3A : memref<!tpu.dma_semaphore, #tpu.memory_space<semaphore_mem>>) src(%dma_wait3A_59 : memref<624x128xf32, #tpu.memory_space<vmem_shared>>) dst(%dma_wait3A_57 : memref<624x128xf32, #tpu.memory_space<hbm>>)
      tpu.yield
    }) : () -> ()
    %eq3A_40 = arith.constant 0 : i32
    %eq3A_41 = arith.cmpi eq, %arg1, %eq3A_40 : i32
    %convert_element_type3A_42 = arith.extui %eq3A_41 : i1 to i32
    %cond3A_43 = arith.constant 0 : i32
    %cond3A_44 = arith.cmpi ne, %convert_element_type3A_42, %cond3A_43 : i32
    scf.if %cond3A_44 {
      "tpu.region"() ({
        %run_scoped3A = tpu.sem_alloc : memref<!tpu.dma_semaphore, #tpu.memory_space<semaphore_mem>>
        %dma_start3A = arith.constant 0 : i32
        %dma_start3A_45 = arith.constant 0 : i32
        %dma_start3A_46 = tpu.memref_slice %arg6[%arg0, %dma_start3A, %dma_start3A_45] : memref<2x10000x128xf32, #tpu.memory_space<hbm>> -> memref<1x10000x128xf32, #tpu.memory_space<hbm>>
        %dma_start3A_47 = tpu.memref_squeeze %dma_start3A_46 : memref<1x10000x128xf32, #tpu.memory_space<hbm>> -> memref<10000x128xf32, #tpu.memory_space<hbm>>
        %dma_start3A_48 = arith.constant 9984 : i32
        %dma_start3A_49 = arith.constant 0 : i32
        %dma_start3A_50 = tpu.memref_slice %dma_start3A_47[%dma_start3A_48, %dma_start3A_49] : memref<10000x128xf32, #tpu.memory_space<hbm>> -> memref<16x128xf32, #tpu.memory_space<hbm>>
        %dma_start3A_51 = arith.constant 9984 : i32
        %dma_start3A_52 = arith.constant 0 : i32
        %dma_start3A_53 = tpu.memref_slice %arg12[%dma_start3A_51, %dma_start3A_52] : memref<10000x128xf32, #tpu.memory_space<vmem_shared>> -> memref<16x128xf32, #tpu.memory_space<vmem_shared>>
        tpu.enqueue_dma source(%dma_start3A_53 : memref<16x128xf32, #tpu.memory_space<vmem_shared>>) target(%dma_start3A_50 : memref<16x128xf32, #tpu.memory_space<hbm>>) target_semaphore(%run_scoped3A : memref<!tpu.dma_semaphore, #tpu.memory_space<semaphore_mem>>)
        %dma_wait3A_54 = arith.constant 0 : i32
        %dma_wait3A_55 = arith.constant 0 : i32
        %dma_wait3A_56 = tpu.memref_slice %arg6[%arg0, %dma_wait3A_54, %dma_wait3A_55] : memref<2x10000x128xf32, #tpu.memory_space<hbm>> -> memref<1x10000x128xf32, #tpu.memory_space<hbm>>
        %dma_wait3A_57 = tpu.memref_squeeze %dma_wait3A_56 : memref<1x10000x128xf32, #tpu.memory_space<hbm>> -> memref<10000x128xf32, #tpu.memory_space<hbm>>
        %dma_wait3A_58 = arith.constant 9984 : i32
        %dma_wait3A_59 = arith.constant 0 : i32
        %dma_wait3A_60 = tpu.memref_slice %dma_wait3A_57[%dma_wait3A_58, %dma_wait3A_59] : memref<10000x128xf32, #tpu.memory_space<hbm>> -> memref<16x128xf32, #tpu.memory_space<hbm>>
        %dma_wait3A_61 = arith.constant 9984 : i32
        %dma_wait3A_62 = arith.constant 0 : i32
        %dma_wait3A_63 = tpu.memref_slice %arg12[%dma_wait3A_61, %dma_wait3A_62] : memref<10000x128xf32, #tpu.memory_space<vmem_shared>> -> memref<16x128xf32, #tpu.memory_space<vmem_shared>>
        tpu.wait_dma2 semaphore(%run_scoped3A : memref<!tpu.dma_semaphore, #tpu.memory_space<semaphore_mem>>) src(%dma_wait3A_63 : memref<16x128xf32, #tpu.memory_space<vmem_shared>>) dst(%dma_wait3A_60 : memref<16x128xf32, #tpu.memory_space<hbm>>)
        tpu.yield
      }) : () -> ()
    } else {
    }
    return
  }
}

#map = affine_map<(d0, d1) -> (0, 0, 0)>
#map1 = affine_map<(d0, d1) -> (0)>
#map2 = affine_map<(d0, d1) -> (0, 0)>
module attributes {stable_mosaic.version = 14 : i64} {
  func.func @_edge_conv(%arg0: i32, %arg1: i32, %arg2: memref<27x10000x128xf32, #tpu.memory_space<hbm>>, %arg3: memref<324000xi32, #tpu.memory_space<hbm>>, %arg4: memref<324000xi32, #tpu.memory_space<hbm>>, %arg5: memref<10000x128xf32, #tpu.memory_space<hbm>>, %arg6: memref<2x10000x128xf32, #tpu.memory_space<hbm>>, %arg7: memref<10200xi32, #tpu.memory_space<vmem>>, %arg8: memref<120xi32, #tpu.memory_space<vmem>>, %arg9: memref<120xi32, #tpu.memory_space<vmem>>, %arg10: memref<120x128xf32, #tpu.memory_space<vmem>>, %arg11: memref<120x128xf32, #tpu.memory_space<vmem>>, %arg12: memref<10000x128xf32, #tpu.memory_space<vmem_shared>>, %arg13: memref<!tpu.dma_semaphore, #tpu.memory_space<semaphore_mem>>, %arg14: memref<!tpu.dma_semaphore, #tpu.memory_space<semaphore_mem>>, %arg15: memref<!tpu.dma_semaphore, #tpu.memory_space<semaphore_mem>>, %arg16: memref<!tpu.dma_semaphore, #tpu.memory_space<semaphore_mem>>, %arg17: memref<!tpu.dma_semaphore, #tpu.memory_space<semaphore_mem>>, %arg18: memref<!tpu.dma_semaphore, #tpu.memory_space<semaphore_mem>>) attributes {dimension_semantics = [#tpu.dimension_semantics<core_parallel>, #tpu.dimension_semantics<subcore_parallel>], iteration_bounds = array<i64: 2, 16>, scalar_prefetch = 0 : i64, scratch_operands = 12 : i64, tpu.core_type = #tpu.core_type<sc_vector_subcore>, window_params = [{transform_indices = #map}, {transform_indices = #map1}, {transform_indices = #map1}, {transform_indices = #map2}, {transform_indices = #map}]} {
    %mul3A = arith.constant 1350 : i32
    %mul3A_0 = arith.muli %arg0, %mul3A : i32
    %mul3A_1 = arith.constant 84 : i32
    %mul3A_2 = arith.muli %arg1, %mul3A_1 : i32
    %add3A = arith.addi %mul3A_0, %mul3A_2 : i32
    %min3A = arith.constant 6 : i32
    %min3A_3 = arith.minsi %arg1, %min3A : i32
    %add3A_4 = arith.addi %add3A, %min3A_3 : i32
    %lt3A = arith.constant 6 : i32
    %lt3A_5 = arith.cmpi slt, %arg1, %lt3A : i32
    %jit3A = arith.constant 85 : i32
    %jit3A_6 = arith.constant 84 : i32
    %select_n3A = arith.select %lt3A_5, %jit3A, %jit3A_6 : i32
    %min3A_7 = arith.constant 2615 : i32
    %min3A_8 = arith.minsi %add3A_4, %min3A_7 : i32
    %sub3A = arith.subi %add3A_4, %min3A_8 : i32
    %mul3A_9 = arith.constant 120 : i32
    %mul3A_10 = arith.muli %min3A_8, %mul3A_9 : i32
    "tpu.region"() ({
      %run_scoped3A = tpu.sem_alloc : memref<!tpu.dma_semaphore, #tpu.memory_space<semaphore_mem>>
      %dma_start3A = tpu.memref_slice %arg3[%mul3A_10] : memref<324000xi32, #tpu.memory_space<hbm>> -> memref<10200xi32, #tpu.memory_space<hbm>>
      %dma_start3A_45 = tpu.memref_slice %arg3[%mul3A_10] : memref<324000xi32, #tpu.memory_space<hbm>> -> memref<10200xi32, #tpu.memory_space<hbm>>
      tpu.enqueue_dma source(%dma_start3A_45 : memref<10200xi32, #tpu.memory_space<hbm>>) target(%arg7 : memref<10200xi32, #tpu.memory_space<vmem>>) target_semaphore(%run_scoped3A : memref<!tpu.dma_semaphore, #tpu.memory_space<semaphore_mem>>)
      %dma_wait3A_46 = tpu.memref_slice %arg3[%mul3A_10] : memref<324000xi32, #tpu.memory_space<hbm>> -> memref<10200xi32, #tpu.memory_space<hbm>>
      %dma_wait3A_47 = tpu.memref_slice %arg3[%mul3A_10] : memref<324000xi32, #tpu.memory_space<hbm>> -> memref<10200xi32, #tpu.memory_space<hbm>>
      tpu.wait_dma2 semaphore(%run_scoped3A : memref<!tpu.dma_semaphore, #tpu.memory_space<semaphore_mem>>) src(%dma_wait3A_47 : memref<10200xi32, #tpu.memory_space<hbm>>) dst(%arg7 : memref<10200xi32, #tpu.memory_space<vmem>>)
      tpu.yield
    }) : () -> ()
    %mul3A_11 = arith.constant 624 : i32
    %mul3A_12 = arith.muli %arg1, %mul3A_11 : i32
    %mul3A_13 = arith.constant 624 : i32
    %mul3A_14 = arith.muli %arg1, %mul3A_13 : i32
    "tpu.region"() ({
      %run_scoped3A = tpu.sem_alloc : memref<!tpu.dma_semaphore, #tpu.memory_space<semaphore_mem>>
      %dma_start3A = arith.constant 0 : i32
      %dma_start3A_45 = tpu.memref_slice %arg12[%mul3A_14, %dma_start3A] : memref<10000x128xf32, #tpu.memory_space<vmem_shared>> -> memref<624x128xf32, #tpu.memory_space<vmem_shared>>
      %dma_start3A_46 = arith.constant 0 : i32
      %dma_start3A_47 = tpu.memref_slice %arg5[%mul3A_12, %dma_start3A_46] : memref<10000x128xf32, #tpu.memory_space<hbm>> -> memref<624x128xf32, #tpu.memory_space<hbm>>
      tpu.enqueue_dma source(%dma_start3A_47 : memref<624x128xf32, #tpu.memory_space<hbm>>) target(%dma_start3A_45 : memref<624x128xf32, #tpu.memory_space<vmem_shared>>) target_semaphore(%run_scoped3A : memref<!tpu.dma_semaphore, #tpu.memory_space<semaphore_mem>>)
      %dma_wait3A_48 = arith.constant 0 : i32
      %dma_wait3A_49 = tpu.memref_slice %arg12[%mul3A_14, %dma_wait3A_48] : memref<10000x128xf32, #tpu.memory_space<vmem_shared>> -> memref<624x128xf32, #tpu.memory_space<vmem_shared>>
      %dma_wait3A_50 = arith.constant 0 : i32
      %dma_wait3A_51 = tpu.memref_slice %arg5[%mul3A_12, %dma_wait3A_50] : memref<10000x128xf32, #tpu.memory_space<hbm>> -> memref<624x128xf32, #tpu.memory_space<hbm>>
      tpu.wait_dma2 semaphore(%run_scoped3A : memref<!tpu.dma_semaphore, #tpu.memory_space<semaphore_mem>>) src(%dma_wait3A_51 : memref<624x128xf32, #tpu.memory_space<hbm>>) dst(%dma_wait3A_49 : memref<624x128xf32, #tpu.memory_space<vmem_shared>>)
      tpu.yield
    }) : () -> ()
    %eq3A = arith.constant 0 : i32
    %eq3A_15 = arith.cmpi eq, %arg1, %eq3A : i32
    %convert_element_type3A = arith.extui %eq3A_15 : i1 to i32
    %cond3A = arith.constant 0 : i32
    %cond3A_16 = arith.cmpi ne, %convert_element_type3A, %cond3A : i32
    scf.if %cond3A_16 {
      "tpu.region"() ({
        %run_scoped3A = tpu.sem_alloc : memref<!tpu.dma_semaphore, #tpu.memory_space<semaphore_mem>>
        %dma_start3A = arith.constant 9984 : i32
        %dma_start3A_45 = arith.constant 0 : i32
        %dma_start3A_46 = tpu.memref_slice %arg12[%dma_start3A, %dma_start3A_45] : memref<10000x128xf32, #tpu.memory_space<vmem_shared>> -> memref<16x128xf32, #tpu.memory_space<vmem_shared>>
        %dma_start3A_47 = arith.constant 9984 : i32
        %dma_start3A_48 = arith.constant 0 : i32
        %dma_start3A_49 = tpu.memref_slice %arg5[%dma_start3A_47, %dma_start3A_48] : memref<10000x128xf32, #tpu.memory_space<hbm>> -> memref<16x128xf32, #tpu.memory_space<hbm>>
        tpu.enqueue_dma source(%dma_start3A_49 : memref<16x128xf32, #tpu.memory_space<hbm>>) target(%dma_start3A_46 : memref<16x128xf32, #tpu.memory_space<vmem_shared>>) target_semaphore(%run_scoped3A : memref<!tpu.dma_semaphore, #tpu.memory_space<semaphore_mem>>)
        %dma_wait3A_50 = arith.constant 9984 : i32
        %dma_wait3A_51 = arith.constant 0 : i32
        %dma_wait3A_52 = tpu.memref_slice %arg12[%dma_wait3A_50, %dma_wait3A_51] : memref<10000x128xf32, #tpu.memory_space<vmem_shared>> -> memref<16x128xf32, #tpu.memory_space<vmem_shared>>
        %dma_wait3A_53 = arith.constant 9984 : i32
        %dma_wait3A_54 = arith.constant 0 : i32
        %dma_wait3A_55 = tpu.memref_slice %arg5[%dma_wait3A_53, %dma_wait3A_54] : memref<10000x128xf32, #tpu.memory_space<hbm>> -> memref<16x128xf32, #tpu.memory_space<hbm>>
        tpu.wait_dma2 semaphore(%run_scoped3A : memref<!tpu.dma_semaphore, #tpu.memory_space<semaphore_mem>>) src(%dma_wait3A_55 : memref<16x128xf32, #tpu.memory_space<hbm>>) dst(%dma_wait3A_52 : memref<16x128xf32, #tpu.memory_space<vmem_shared>>)
        tpu.yield
      }) : () -> ()
    } else {
    }
    %barrier3A = arith.constant 0 : index
    tpu.barrier barrier_id(%barrier3A)
    %gt3A = arith.constant 0 : i32
    %gt3A_17 = arith.cmpi sgt, %select_n3A, %gt3A : i32
    %convert_element_type3A_18 = arith.extui %gt3A_17 : i1 to i32
    %cond3A_19 = arith.constant 0 : i32
    %cond3A_20 = arith.cmpi ne, %convert_element_type3A_18, %cond3A_19 : i32
    scf.if %cond3A_20 {
      %add3A_45 = arith.constant 0 : i32
      %add3A_46 = arith.addi %add3A_4, %add3A_45 : i32
      %jit3A_47 = arith.constant 100 : i32
      %div3A = arith.divsi %add3A_46, %jit3A_47 : i32
      %sign3A = arith.constant 0 : i32
      %sign3A_48 = arith.cmpi sgt, %add3A_46, %sign3A : i32
      %sign3A_49 = arith.extui %sign3A_48 : i1 to i32
      %sign3A_50 = arith.constant 0 : i32
      %sign3A_51 = arith.cmpi slt, %add3A_46, %sign3A_50 : i32
      %sign3A_52 = arith.extui %sign3A_51 : i1 to i32
      %sign3A_53 = arith.subi %sign3A_49, %sign3A_52 : i32
      %sign3A_54 = arith.constant 0 : i32
      %sign3A_55 = arith.cmpi sgt, %jit3A_47, %sign3A_54 : i32
      %sign3A_56 = arith.extui %sign3A_55 : i1 to i32
      %sign3A_57 = arith.constant 0 : i32
      %sign3A_58 = arith.cmpi slt, %jit3A_47, %sign3A_57 : i32
      %sign3A_59 = arith.extui %sign3A_58 : i1 to i32
      %sign3A_60 = arith.subi %sign3A_56, %sign3A_59 : i32
      %ne3A = arith.cmpi ne, %sign3A_53, %sign3A_60 : i32
      %rem3A = arith.remsi %add3A_46, %jit3A_47 : i32
      %ne3A_61 = arith.constant 0 : i32
      %ne3A_62 = arith.cmpi ne, %rem3A, %ne3A_61 : i32
      %and3A = arith.andi %ne3A, %ne3A_62 : i1
      %sub3A_63 = arith.constant 1 : i32
      %sub3A_64 = arith.subi %div3A, %sub3A_63 : i32
      %select_n3A_65 = arith.select %and3A, %sub3A_64, %div3A : i32
      %mul3A_66 = arith.constant 120 : i32
      %mul3A_67 = arith.muli %add3A_46, %mul3A_66 : i32
      %dma_start3A = tpu.memref_slice %arg4[%mul3A_67] : memref<324000xi32, #tpu.memory_space<hbm>> -> memref<120xi32, #tpu.memory_space<hbm>>
      %dma_start3A_68 = tpu.memref_slice %arg4[%mul3A_67] : memref<324000xi32, #tpu.memory_space<hbm>> -> memref<120xi32, #tpu.memory_space<hbm>>
      tpu.enqueue_dma source(%dma_start3A_68 : memref<120xi32, #tpu.memory_space<hbm>>) target(%arg8 : memref<120xi32, #tpu.memory_space<vmem>>) target_semaphore(%arg13 : memref<!tpu.dma_semaphore, #tpu.memory_space<semaphore_mem>>)
      %add3A_69 = arith.constant 0 : i32
      %add3A_70 = arith.addi %add3A_69, %sub3A : i32
      %mul3A_71 = arith.constant 120 : i32
      %mul3A_72 = arith.muli %add3A_70, %mul3A_71 : i32
      %dma_start3A_73 = tpu.memref_slice %arg7[%mul3A_72] : memref<10200xi32, #tpu.memory_space<vmem>> -> memref<120xi32, #tpu.memory_space<vmem>>
      %dma_start3A_74 = arith.constant 0 : i32
      %dma_start3A_75 = arith.constant 0 : i32
      %dma_start3A_76 = tpu.memref_slice %arg2[%select_n3A_65, %dma_start3A_74, %dma_start3A_75] : memref<27x10000x128xf32, #tpu.memory_space<hbm>> -> memref<1x10000x128xf32, #tpu.memory_space<hbm>>
      %dma_start3A_77 = tpu.memref_squeeze %dma_start3A_76 : memref<1x10000x128xf32, #tpu.memory_space<hbm>> -> memref<10000x128xf32, #tpu.memory_space<hbm>>
      %dma_start3A_78 = arith.constant 0 : i32
      %dma_start3A_79 = arith.constant 0 : i32
      %dma_start3A_80 = tpu.memref_slice %dma_start3A_77[%dma_start3A_78, %dma_start3A_79] : memref<10000x128xf32, #tpu.memory_space<hbm>> -> memref<10000x128xf32, #tpu.memory_space<hbm>>
      tpu.enqueue_indirect_dma source(%dma_start3A_80 : memref<10000x128xf32, #tpu.memory_space<hbm>>) target(%arg10 : memref<120x128xf32, #tpu.memory_space<vmem>>) offsets(%dma_start3A_73 : memref<120xi32, #tpu.memory_space<vmem>>) semaphore(%arg15 : memref<!tpu.dma_semaphore, #tpu.memory_space<semaphore_mem>>)
    } else {
    }
    %gt3A_21 = arith.constant 1 : i32
    %gt3A_22 = arith.cmpi sgt, %select_n3A, %gt3A_21 : i32
    %convert_element_type3A_23 = arith.extui %gt3A_22 : i1 to i32
    %cond3A_24 = arith.constant 0 : i32
    %cond3A_25 = arith.cmpi ne, %convert_element_type3A_23, %cond3A_24 : i32
    scf.if %cond3A_25 {
      %add3A_45 = arith.constant 1 : i32
      %add3A_46 = arith.addi %add3A_4, %add3A_45 : i32
      %jit3A_47 = arith.constant 100 : i32
      %div3A = arith.divsi %add3A_46, %jit3A_47 : i32
      %sign3A = arith.constant 0 : i32
      %sign3A_48 = arith.cmpi sgt, %add3A_46, %sign3A : i32
      %sign3A_49 = arith.extui %sign3A_48 : i1 to i32
      %sign3A_50 = arith.constant 0 : i32
      %sign3A_51 = arith.cmpi slt, %add3A_46, %sign3A_50 : i32
      %sign3A_52 = arith.extui %sign3A_51 : i1 to i32
      %sign3A_53 = arith.subi %sign3A_49, %sign3A_52 : i32
      %sign3A_54 = arith.constant 0 : i32
      %sign3A_55 = arith.cmpi sgt, %jit3A_47, %sign3A_54 : i32
      %sign3A_56 = arith.extui %sign3A_55 : i1 to i32
      %sign3A_57 = arith.constant 0 : i32
      %sign3A_58 = arith.cmpi slt, %jit3A_47, %sign3A_57 : i32
      %sign3A_59 = arith.extui %sign3A_58 : i1 to i32
      %sign3A_60 = arith.subi %sign3A_56, %sign3A_59 : i32
      %ne3A = arith.cmpi ne, %sign3A_53, %sign3A_60 : i32
      %rem3A = arith.remsi %add3A_46, %jit3A_47 : i32
      %ne3A_61 = arith.constant 0 : i32
      %ne3A_62 = arith.cmpi ne, %rem3A, %ne3A_61 : i32
      %and3A = arith.andi %ne3A, %ne3A_62 : i1
      %sub3A_63 = arith.constant 1 : i32
      %sub3A_64 = arith.subi %div3A, %sub3A_63 : i32
      %select_n3A_65 = arith.select %and3A, %sub3A_64, %div3A : i32
      %mul3A_66 = arith.constant 120 : i32
      %mul3A_67 = arith.muli %add3A_46, %mul3A_66 : i32
      %dma_start3A = tpu.memref_slice %arg4[%mul3A_67] : memref<324000xi32, #tpu.memory_space<hbm>> -> memref<120xi32, #tpu.memory_space<hbm>>
      %dma_start3A_68 = tpu.memref_slice %arg4[%mul3A_67] : memref<324000xi32, #tpu.memory_space<hbm>> -> memref<120xi32, #tpu.memory_space<hbm>>
      tpu.enqueue_dma source(%dma_start3A_68 : memref<120xi32, #tpu.memory_space<hbm>>) target(%arg9 : memref<120xi32, #tpu.memory_space<vmem>>) target_semaphore(%arg14 : memref<!tpu.dma_semaphore, #tpu.memory_space<semaphore_mem>>)
      %add3A_69 = arith.constant 1 : i32
      %add3A_70 = arith.addi %add3A_69, %sub3A : i32
      %mul3A_71 = arith.constant 120 : i32
      %mul3A_72 = arith.muli %add3A_70, %mul3A_71 : i32
      %dma_start3A_73 = tpu.memref_slice %arg7[%mul3A_72] : memref<10200xi32, #tpu.memory_space<vmem>> -> memref<120xi32, #tpu.memory_space<vmem>>
      %dma_start3A_74 = arith.constant 0 : i32
      %dma_start3A_75 = arith.constant 0 : i32
      %dma_start3A_76 = tpu.memref_slice %arg2[%select_n3A_65, %dma_start3A_74, %dma_start3A_75] : memref<27x10000x128xf32, #tpu.memory_space<hbm>> -> memref<1x10000x128xf32, #tpu.memory_space<hbm>>
      %dma_start3A_77 = tpu.memref_squeeze %dma_start3A_76 : memref<1x10000x128xf32, #tpu.memory_space<hbm>> -> memref<10000x128xf32, #tpu.memory_space<hbm>>
      %dma_start3A_78 = arith.constant 0 : i32
      %dma_start3A_79 = arith.constant 0 : i32
      %dma_start3A_80 = tpu.memref_slice %dma_start3A_77[%dma_start3A_78, %dma_start3A_79] : memref<10000x128xf32, #tpu.memory_space<hbm>> -> memref<10000x128xf32, #tpu.memory_space<hbm>>
      tpu.enqueue_indirect_dma source(%dma_start3A_80 : memref<10000x128xf32, #tpu.memory_space<hbm>>) target(%arg11 : memref<120x128xf32, #tpu.memory_space<vmem>>) offsets(%dma_start3A_73 : memref<120xi32, #tpu.memory_space<vmem>>) semaphore(%arg16 : memref<!tpu.dma_semaphore, #tpu.memory_space<semaphore_mem>>)
    } else {
    }
    %scan3A = arith.constant 0 : i32
    %scan3A_26 = arith.constant 43 : i32
    %scan3A_27 = arith.addi %scan3A, %scan3A_26 : i32
    %scan3A_28 = arith.constant 1 : i32
    scf.for %scan3A_45 = %scan3A to %scan3A_27 step %scan3A_28  : i32 {
      %mul3A_46 = arith.constant 1 : i32
      %mul3A_47 = arith.muli %scan3A_45, %mul3A_46 : i32
      %add3A_48 = arith.constant 0 : i32
      %add3A_49 = arith.addi %add3A_48, %mul3A_47 : i32
      %mul3A_50 = arith.constant 2 : i32
      %mul3A_51 = arith.muli %mul3A_50, %add3A_49 : i32
      %lt3A_52 = arith.cmpi slt, %mul3A_51, %select_n3A : i32
      %convert_element_type3A_53 = arith.extui %lt3A_52 : i1 to i32
      %cond3A_54 = arith.constant 0 : i32
      %cond3A_55 = arith.cmpi ne, %convert_element_type3A_53, %cond3A_54 : i32
      scf.if %cond3A_55 {
        %add3A_74 = arith.addi %add3A_4, %mul3A_51 : i32
        %jit3A_75 = arith.constant 100 : i32
        %div3A = arith.divsi %add3A_74, %jit3A_75 : i32
        %sign3A = arith.constant 0 : i32
        %sign3A_76 = arith.cmpi sgt, %add3A_74, %sign3A : i32
        %sign3A_77 = arith.extui %sign3A_76 : i1 to i32
        %sign3A_78 = arith.constant 0 : i32
        %sign3A_79 = arith.cmpi slt, %add3A_74, %sign3A_78 : i32
        %sign3A_80 = arith.extui %sign3A_79 : i1 to i32
        %sign3A_81 = arith.subi %sign3A_77, %sign3A_80 : i32
        %sign3A_82 = arith.constant 0 : i32
        %sign3A_83 = arith.cmpi sgt, %jit3A_75, %sign3A_82 : i32
        %sign3A_84 = arith.extui %sign3A_83 : i1 to i32
        %sign3A_85 = arith.constant 0 : i32
        %sign3A_86 = arith.cmpi slt, %jit3A_75, %sign3A_85 : i32
        %sign3A_87 = arith.extui %sign3A_86 : i1 to i32
        %sign3A_88 = arith.subi %sign3A_84, %sign3A_87 : i32
        %ne3A = arith.cmpi ne, %sign3A_81, %sign3A_88 : i32
        %rem3A = arith.remsi %add3A_74, %jit3A_75 : i32
        %ne3A_89 = arith.constant 0 : i32
        %ne3A_90 = arith.cmpi ne, %rem3A, %ne3A_89 : i32
        %and3A = arith.andi %ne3A, %ne3A_90 : i1
        %sub3A_91 = arith.constant 1 : i32
        %sub3A_92 = arith.subi %div3A, %sub3A_91 : i32
        %select_n3A_93 = arith.select %and3A, %sub3A_92, %div3A : i32
        %mul3A_94 = arith.constant 120 : i32
        %mul3A_95 = arith.muli %add3A_74, %mul3A_94 : i32
        %dma_wait3A_96 = tpu.memref_slice %arg4[%mul3A_95] : memref<324000xi32, #tpu.memory_space<hbm>> -> memref<120xi32, #tpu.memory_space<hbm>>
        %dma_wait3A_97 = tpu.memref_slice %arg4[%mul3A_95] : memref<324000xi32, #tpu.memory_space<hbm>> -> memref<120xi32, #tpu.memory_space<hbm>>
        tpu.wait_dma2 semaphore(%arg13 : memref<!tpu.dma_semaphore, #tpu.memory_space<semaphore_mem>>) src(%dma_wait3A_97 : memref<120xi32, #tpu.memory_space<hbm>>) dst(%arg8 : memref<120xi32, #tpu.memory_space<vmem>>)
        %add3A_98 = arith.addi %mul3A_51, %sub3A : i32
        %mul3A_99 = arith.constant 120 : i32
        %mul3A_100 = arith.muli %add3A_98, %mul3A_99 : i32
        %dma_wait3A_101 = tpu.memref_slice %arg7[%mul3A_100] : memref<10200xi32, #tpu.memory_space<vmem>> -> memref<120xi32, #tpu.memory_space<vmem>>
        %dma_wait3A_102 = arith.constant 0 : i32
        %dma_wait3A_103 = arith.constant 0 : i32
        %dma_wait3A_104 = tpu.memref_slice %arg2[%select_n3A_93, %dma_wait3A_102, %dma_wait3A_103] : memref<27x10000x128xf32, #tpu.memory_space<hbm>> -> memref<1x10000x128xf32, #tpu.memory_space<hbm>>
        %dma_wait3A_105 = tpu.memref_squeeze %dma_wait3A_104 : memref<1x10000x128xf32, #tpu.memory_space<hbm>> -> memref<10000x128xf32, #tpu.memory_space<hbm>>
        %dma_wait3A_106 = arith.constant 0 : i32
        %dma_wait3A_107 = arith.constant 0 : i32
        %dma_wait3A_108 = tpu.memref_slice %dma_wait3A_105[%dma_wait3A_106, %dma_wait3A_107] : memref<10000x128xf32, #tpu.memory_space<hbm>> -> memref<10000x128xf32, #tpu.memory_space<hbm>>
        tpu.wait_indirect_dma semaphore(%arg15 : memref<!tpu.dma_semaphore, #tpu.memory_space<semaphore_mem>>) src(%dma_wait3A_108 : memref<10000x128xf32, #tpu.memory_space<hbm>>) dst(%arg10 : memref<120x128xf32, #tpu.memory_space<vmem>>)
        %dma_start3A = arith.constant 0 : i32
        %dma_start3A_109 = arith.constant 0 : i32
        %dma_start3A_110 = tpu.memref_slice %arg12[%dma_start3A, %dma_start3A_109] : memref<10000x128xf32, #tpu.memory_space<vmem_shared>> -> memref<10000x128xf32, #tpu.memory_space<vmem_shared>>
        tpu.enqueue_indirect_dma source(%arg10 : memref<120x128xf32, #tpu.memory_space<vmem>>) target(%dma_start3A_110 : memref<10000x128xf32, #tpu.memory_space<vmem_shared>>) offsets(%arg8 : memref<120xi32, #tpu.memory_space<vmem>>) semaphore(%arg17 : memref<!tpu.dma_semaphore, #tpu.memory_space<semaphore_mem>>) {add = true}
      } else {
      }
      %add3A_56 = arith.constant 2 : i32
      %add3A_57 = arith.addi %mul3A_51, %add3A_56 : i32
      %lt3A_58 = arith.cmpi slt, %add3A_57, %select_n3A : i32
      %convert_element_type3A_59 = arith.extui %lt3A_58 : i1 to i32
      %cond3A_60 = arith.constant 0 : i32
      %cond3A_61 = arith.cmpi ne, %convert_element_type3A_59, %cond3A_60 : i32
      scf.if %cond3A_61 {
        %dma_wait3A_74 = arith.constant 0 : i32
        %dma_wait3A_75 = arith.constant 0 : i32
        %dma_wait3A_76 = tpu.memref_slice %arg12[%dma_wait3A_74, %dma_wait3A_75] : memref<10000x128xf32, #tpu.memory_space<vmem_shared>> -> memref<10000x128xf32, #tpu.memory_space<vmem_shared>>
        tpu.wait_indirect_dma semaphore(%arg17 : memref<!tpu.dma_semaphore, #tpu.memory_space<semaphore_mem>>) src(%arg10 : memref<120x128xf32, #tpu.memory_space<vmem>>) dst(%dma_wait3A_76 : memref<10000x128xf32, #tpu.memory_space<vmem_shared>>)
        %add3A_77 = arith.addi %add3A_4, %add3A_57 : i32
        %jit3A_78 = arith.constant 100 : i32
        %div3A = arith.divsi %add3A_77, %jit3A_78 : i32
        %sign3A = arith.constant 0 : i32
        %sign3A_79 = arith.cmpi sgt, %add3A_77, %sign3A : i32
        %sign3A_80 = arith.extui %sign3A_79 : i1 to i32
        %sign3A_81 = arith.constant 0 : i32
        %sign3A_82 = arith.cmpi slt, %add3A_77, %sign3A_81 : i32
        %sign3A_83 = arith.extui %sign3A_82 : i1 to i32
        %sign3A_84 = arith.subi %sign3A_80, %sign3A_83 : i32
        %sign3A_85 = arith.constant 0 : i32
        %sign3A_86 = arith.cmpi sgt, %jit3A_78, %sign3A_85 : i32
        %sign3A_87 = arith.extui %sign3A_86 : i1 to i32
        %sign3A_88 = arith.constant 0 : i32
        %sign3A_89 = arith.cmpi slt, %jit3A_78, %sign3A_88 : i32
        %sign3A_90 = arith.extui %sign3A_89 : i1 to i32
        %sign3A_91 = arith.subi %sign3A_87, %sign3A_90 : i32
        %ne3A = arith.cmpi ne, %sign3A_84, %sign3A_91 : i32
        %rem3A = arith.remsi %add3A_77, %jit3A_78 : i32
        %ne3A_92 = arith.constant 0 : i32
        %ne3A_93 = arith.cmpi ne, %rem3A, %ne3A_92 : i32
        %and3A = arith.andi %ne3A, %ne3A_93 : i1
        %sub3A_94 = arith.constant 1 : i32
        %sub3A_95 = arith.subi %div3A, %sub3A_94 : i32
        %select_n3A_96 = arith.select %and3A, %sub3A_95, %div3A : i32
        %mul3A_97 = arith.constant 120 : i32
        %mul3A_98 = arith.muli %add3A_77, %mul3A_97 : i32
        %dma_start3A = tpu.memref_slice %arg4[%mul3A_98] : memref<324000xi32, #tpu.memory_space<hbm>> -> memref<120xi32, #tpu.memory_space<hbm>>
        %dma_start3A_99 = tpu.memref_slice %arg4[%mul3A_98] : memref<324000xi32, #tpu.memory_space<hbm>> -> memref<120xi32, #tpu.memory_space<hbm>>
        tpu.enqueue_dma source(%dma_start3A_99 : memref<120xi32, #tpu.memory_space<hbm>>) target(%arg8 : memref<120xi32, #tpu.memory_space<vmem>>) target_semaphore(%arg13 : memref<!tpu.dma_semaphore, #tpu.memory_space<semaphore_mem>>)
        %add3A_100 = arith.addi %add3A_57, %sub3A : i32
        %mul3A_101 = arith.constant 120 : i32
        %mul3A_102 = arith.muli %add3A_100, %mul3A_101 : i32
        %dma_start3A_103 = tpu.memref_slice %arg7[%mul3A_102] : memref<10200xi32, #tpu.memory_space<vmem>> -> memref<120xi32, #tpu.memory_space<vmem>>
        %dma_start3A_104 = arith.constant 0 : i32
        %dma_start3A_105 = arith.constant 0 : i32
        %dma_start3A_106 = tpu.memref_slice %arg2[%select_n3A_96, %dma_start3A_104, %dma_start3A_105] : memref<27x10000x128xf32, #tpu.memory_space<hbm>> -> memref<1x10000x128xf32, #tpu.memory_space<hbm>>
        %dma_start3A_107 = tpu.memref_squeeze %dma_start3A_106 : memref<1x10000x128xf32, #tpu.memory_space<hbm>> -> memref<10000x128xf32, #tpu.memory_space<hbm>>
        %dma_start3A_108 = arith.constant 0 : i32
        %dma_start3A_109 = arith.constant 0 : i32
        %dma_start3A_110 = tpu.memref_slice %dma_start3A_107[%dma_start3A_108, %dma_start3A_109] : memref<10000x128xf32, #tpu.memory_space<hbm>> -> memref<10000x128xf32, #tpu.memory_space<hbm>>
        tpu.enqueue_indirect_dma source(%dma_start3A_110 : memref<10000x128xf32, #tpu.memory_space<hbm>>) target(%arg10 : memref<120x128xf32, #tpu.memory_space<vmem>>) offsets(%dma_start3A_103 : memref<120xi32, #tpu.memory_space<vmem>>) semaphore(%arg15 : memref<!tpu.dma_semaphore, #tpu.memory_space<semaphore_mem>>)
      } else {
      }
      %add3A_62 = arith.constant 1 : i32
      %add3A_63 = arith.addi %mul3A_51, %add3A_62 : i32
      %lt3A_64 = arith.cmpi slt, %add3A_63, %select_n3A : i32
      %convert_element_type3A_65 = arith.extui %lt3A_64 : i1 to i32
      %cond3A_66 = arith.constant 0 : i32
      %cond3A_67 = arith.cmpi ne, %convert_element_type3A_65, %cond3A_66 : i32
      scf.if %cond3A_67 {
        %add3A_74 = arith.addi %add3A_4, %add3A_63 : i32
        %jit3A_75 = arith.constant 100 : i32
        %div3A = arith.divsi %add3A_74, %jit3A_75 : i32
        %sign3A = arith.constant 0 : i32
        %sign3A_76 = arith.cmpi sgt, %add3A_74, %sign3A : i32
        %sign3A_77 = arith.extui %sign3A_76 : i1 to i32
        %sign3A_78 = arith.constant 0 : i32
        %sign3A_79 = arith.cmpi slt, %add3A_74, %sign3A_78 : i32
        %sign3A_80 = arith.extui %sign3A_79 : i1 to i32
        %sign3A_81 = arith.subi %sign3A_77, %sign3A_80 : i32
        %sign3A_82 = arith.constant 0 : i32
        %sign3A_83 = arith.cmpi sgt, %jit3A_75, %sign3A_82 : i32
        %sign3A_84 = arith.extui %sign3A_83 : i1 to i32
        %sign3A_85 = arith.constant 0 : i32
        %sign3A_86 = arith.cmpi slt, %jit3A_75, %sign3A_85 : i32
        %sign3A_87 = arith.extui %sign3A_86 : i1 to i32
        %sign3A_88 = arith.subi %sign3A_84, %sign3A_87 : i32
        %ne3A = arith.cmpi ne, %sign3A_81, %sign3A_88 : i32
        %rem3A = arith.remsi %add3A_74, %jit3A_75 : i32
        %ne3A_89 = arith.constant 0 : i32
        %ne3A_90 = arith.cmpi ne, %rem3A, %ne3A_89 : i32
        %and3A = arith.andi %ne3A, %ne3A_90 : i1
        %sub3A_91 = arith.constant 1 : i32
        %sub3A_92 = arith.subi %div3A, %sub3A_91 : i32
        %select_n3A_93 = arith.select %and3A, %sub3A_92, %div3A : i32
        %mul3A_94 = arith.constant 120 : i32
        %mul3A_95 = arith.muli %add3A_74, %mul3A_94 : i32
        %dma_wait3A_96 = tpu.memref_slice %arg4[%mul3A_95] : memref<324000xi32, #tpu.memory_space<hbm>> -> memref<120xi32, #tpu.memory_space<hbm>>
        %dma_wait3A_97 = tpu.memref_slice %arg4[%mul3A_95] : memref<324000xi32, #tpu.memory_space<hbm>> -> memref<120xi32, #tpu.memory_space<hbm>>
        tpu.wait_dma2 semaphore(%arg14 : memref<!tpu.dma_semaphore, #tpu.memory_space<semaphore_mem>>) src(%dma_wait3A_97 : memref<120xi32, #tpu.memory_space<hbm>>) dst(%arg9 : memref<120xi32, #tpu.memory_space<vmem>>)
        %add3A_98 = arith.addi %add3A_63, %sub3A : i32
        %mul3A_99 = arith.constant 120 : i32
        %mul3A_100 = arith.muli %add3A_98, %mul3A_99 : i32
        %dma_wait3A_101 = tpu.memref_slice %arg7[%mul3A_100] : memref<10200xi32, #tpu.memory_space<vmem>> -> memref<120xi32, #tpu.memory_space<vmem>>
        %dma_wait3A_102 = arith.constant 0 : i32
        %dma_wait3A_103 = arith.constant 0 : i32
        %dma_wait3A_104 = tpu.memref_slice %arg2[%select_n3A_93, %dma_wait3A_102, %dma_wait3A_103] : memref<27x10000x128xf32, #tpu.memory_space<hbm>> -> memref<1x10000x128xf32, #tpu.memory_space<hbm>>
        %dma_wait3A_105 = tpu.memref_squeeze %dma_wait3A_104 : memref<1x10000x128xf32, #tpu.memory_space<hbm>> -> memref<10000x128xf32, #tpu.memory_space<hbm>>
        %dma_wait3A_106 = arith.constant 0 : i32
        %dma_wait3A_107 = arith.constant 0 : i32
        %dma_wait3A_108 = tpu.memref_slice %dma_wait3A_105[%dma_wait3A_106, %dma_wait3A_107] : memref<10000x128xf32, #tpu.memory_space<hbm>> -> memref<10000x128xf32, #tpu.memory_space<hbm>>
        tpu.wait_indirect_dma semaphore(%arg16 : memref<!tpu.dma_semaphore, #tpu.memory_space<semaphore_mem>>) src(%dma_wait3A_108 : memref<10000x128xf32, #tpu.memory_space<hbm>>) dst(%arg11 : memref<120x128xf32, #tpu.memory_space<vmem>>)
        %dma_start3A = arith.constant 0 : i32
        %dma_start3A_109 = arith.constant 0 : i32
        %dma_start3A_110 = tpu.memref_slice %arg12[%dma_start3A, %dma_start3A_109] : memref<10000x128xf32, #tpu.memory_space<vmem_shared>> -> memref<10000x128xf32, #tpu.memory_space<vmem_shared>>
        tpu.enqueue_indirect_dma source(%arg11 : memref<120x128xf32, #tpu.memory_space<vmem>>) target(%dma_start3A_110 : memref<10000x128xf32, #tpu.memory_space<vmem_shared>>) offsets(%arg9 : memref<120xi32, #tpu.memory_space<vmem>>) semaphore(%arg18 : memref<!tpu.dma_semaphore, #tpu.memory_space<semaphore_mem>>) {add = true}
      } else {
      }
      %add3A_68 = arith.constant 3 : i32
      %add3A_69 = arith.addi %mul3A_51, %add3A_68 : i32
      %lt3A_70 = arith.cmpi slt, %add3A_69, %select_n3A : i32
      %convert_element_type3A_71 = arith.extui %lt3A_70 : i1 to i32
      %cond3A_72 = arith.constant 0 : i32
      %cond3A_73 = arith.cmpi ne, %convert_element_type3A_71, %cond3A_72 : i32
      scf.if %cond3A_73 {
        %dma_wait3A_74 = arith.constant 0 : i32
        %dma_wait3A_75 = arith.constant 0 : i32
        %dma_wait3A_76 = tpu.memref_slice %arg12[%dma_wait3A_74, %dma_wait3A_75] : memref<10000x128xf32, #tpu.memory_space<vmem_shared>> -> memref<10000x128xf32, #tpu.memory_space<vmem_shared>>
        tpu.wait_indirect_dma semaphore(%arg18 : memref<!tpu.dma_semaphore, #tpu.memory_space<semaphore_mem>>) src(%arg11 : memref<120x128xf32, #tpu.memory_space<vmem>>) dst(%dma_wait3A_76 : memref<10000x128xf32, #tpu.memory_space<vmem_shared>>)
        %add3A_77 = arith.addi %add3A_4, %add3A_69 : i32
        %jit3A_78 = arith.constant 100 : i32
        %div3A = arith.divsi %add3A_77, %jit3A_78 : i32
        %sign3A = arith.constant 0 : i32
        %sign3A_79 = arith.cmpi sgt, %add3A_77, %sign3A : i32
        %sign3A_80 = arith.extui %sign3A_79 : i1 to i32
        %sign3A_81 = arith.constant 0 : i32
        %sign3A_82 = arith.cmpi slt, %add3A_77, %sign3A_81 : i32
        %sign3A_83 = arith.extui %sign3A_82 : i1 to i32
        %sign3A_84 = arith.subi %sign3A_80, %sign3A_83 : i32
        %sign3A_85 = arith.constant 0 : i32
        %sign3A_86 = arith.cmpi sgt, %jit3A_78, %sign3A_85 : i32
        %sign3A_87 = arith.extui %sign3A_86 : i1 to i32
        %sign3A_88 = arith.constant 0 : i32
        %sign3A_89 = arith.cmpi slt, %jit3A_78, %sign3A_88 : i32
        %sign3A_90 = arith.extui %sign3A_89 : i1 to i32
        %sign3A_91 = arith.subi %sign3A_87, %sign3A_90 : i32
        %ne3A = arith.cmpi ne, %sign3A_84, %sign3A_91 : i32
        %rem3A = arith.remsi %add3A_77, %jit3A_78 : i32
        %ne3A_92 = arith.constant 0 : i32
        %ne3A_93 = arith.cmpi ne, %rem3A, %ne3A_92 : i32
        %and3A = arith.andi %ne3A, %ne3A_93 : i1
        %sub3A_94 = arith.constant 1 : i32
        %sub3A_95 = arith.subi %div3A, %sub3A_94 : i32
        %select_n3A_96 = arith.select %and3A, %sub3A_95, %div3A : i32
        %mul3A_97 = arith.constant 120 : i32
        %mul3A_98 = arith.muli %add3A_77, %mul3A_97 : i32
        %dma_start3A = tpu.memref_slice %arg4[%mul3A_98] : memref<324000xi32, #tpu.memory_space<hbm>> -> memref<120xi32, #tpu.memory_space<hbm>>
        %dma_start3A_99 = tpu.memref_slice %arg4[%mul3A_98] : memref<324000xi32, #tpu.memory_space<hbm>> -> memref<120xi32, #tpu.memory_space<hbm>>
        tpu.enqueue_dma source(%dma_start3A_99 : memref<120xi32, #tpu.memory_space<hbm>>) target(%arg9 : memref<120xi32, #tpu.memory_space<vmem>>) target_semaphore(%arg14 : memref<!tpu.dma_semaphore, #tpu.memory_space<semaphore_mem>>)
        %add3A_100 = arith.addi %add3A_69, %sub3A : i32
        %mul3A_101 = arith.constant 120 : i32
        %mul3A_102 = arith.muli %add3A_100, %mul3A_101 : i32
        %dma_start3A_103 = tpu.memref_slice %arg7[%mul3A_102] : memref<10200xi32, #tpu.memory_space<vmem>> -> memref<120xi32, #tpu.memory_space<vmem>>
        %dma_start3A_104 = arith.constant 0 : i32
        %dma_start3A_105 = arith.constant 0 : i32
        %dma_start3A_106 = tpu.memref_slice %arg2[%select_n3A_96, %dma_start3A_104, %dma_start3A_105] : memref<27x10000x128xf32, #tpu.memory_space<hbm>> -> memref<1x10000x128xf32, #tpu.memory_space<hbm>>
        %dma_start3A_107 = tpu.memref_squeeze %dma_start3A_106 : memref<1x10000x128xf32, #tpu.memory_space<hbm>> -> memref<10000x128xf32, #tpu.memory_space<hbm>>
        %dma_start3A_108 = arith.constant 0 : i32
        %dma_start3A_109 = arith.constant 0 : i32
        %dma_start3A_110 = tpu.memref_slice %dma_start3A_107[%dma_start3A_108, %dma_start3A_109] : memref<10000x128xf32, #tpu.memory_space<hbm>> -> memref<10000x128xf32, #tpu.memory_space<hbm>>
        tpu.enqueue_indirect_dma source(%dma_start3A_110 : memref<10000x128xf32, #tpu.memory_space<hbm>>) target(%arg11 : memref<120x128xf32, #tpu.memory_space<vmem>>) offsets(%dma_start3A_103 : memref<120xi32, #tpu.memory_space<vmem>>) semaphore(%arg16 : memref<!tpu.dma_semaphore, #tpu.memory_space<semaphore_mem>>)
      } else {
      }
    }
    %scan3A_29 = arith.constant 43 : i32
    %dma_wait3A = arith.constant 0 : i32
    %dma_wait3A_30 = arith.constant 0 : i32
    %dma_wait3A_31 = tpu.memref_slice %arg12[%dma_wait3A, %dma_wait3A_30] : memref<10000x128xf32, #tpu.memory_space<vmem_shared>> -> memref<10000x128xf32, #tpu.memory_space<vmem_shared>>
    tpu.wait_indirect_dma semaphore(%arg17 : memref<!tpu.dma_semaphore, #tpu.memory_space<semaphore_mem>>) src(%arg10 : memref<120x128xf32, #tpu.memory_space<vmem>>) dst(%dma_wait3A_31 : memref<10000x128xf32, #tpu.memory_space<vmem_shared>>)
    %dma_wait3A_32 = arith.constant 0 : i32
    %dma_wait3A_33 = arith.constant 0 : i32
    %dma_wait3A_34 = tpu.memref_slice %arg12[%dma_wait3A_32, %dma_wait3A_33] : memref<10000x128xf32, #tpu.memory_space<vmem_shared>> -> memref<10000x128xf32, #tpu.memory_space<vmem_shared>>
    tpu.wait_indirect_dma semaphore(%arg18 : memref<!tpu.dma_semaphore, #tpu.memory_space<semaphore_mem>>) src(%arg11 : memref<120x128xf32, #tpu.memory_space<vmem>>) dst(%dma_wait3A_34 : memref<10000x128xf32, #tpu.memory_space<vmem_shared>>)
    %barrier3A_35 = arith.constant 0 : index
    tpu.barrier barrier_id(%barrier3A_35)
    %mul3A_36 = arith.constant 624 : i32
    %mul3A_37 = arith.muli %arg1, %mul3A_36 : i32
    %mul3A_38 = arith.constant 624 : i32
    %mul3A_39 = arith.muli %arg1, %mul3A_38 : i32
    "tpu.region"() ({
      %run_scoped3A = tpu.sem_alloc : memref<!tpu.dma_semaphore, #tpu.memory_space<semaphore_mem>>
      %dma_start3A = arith.constant 0 : i32
      %dma_start3A_45 = arith.constant 0 : i32
      %dma_start3A_46 = tpu.memref_slice %arg6[%arg0, %dma_start3A, %dma_start3A_45] : memref<2x10000x128xf32, #tpu.memory_space<hbm>> -> memref<1x10000x128xf32, #tpu.memory_space<hbm>>
      %dma_start3A_47 = tpu.memref_squeeze %dma_start3A_46 : memref<1x10000x128xf32, #tpu.memory_space<hbm>> -> memref<10000x128xf32, #tpu.memory_space<hbm>>
      %dma_start3A_48 = arith.constant 0 : i32
      %dma_start3A_49 = tpu.memref_slice %dma_start3A_47[%mul3A_39, %dma_start3A_48] : memref<10000x128xf32, #tpu.memory_space<hbm>> -> memref<624x128xf32, #tpu.memory_space<hbm>>
      %dma_start3A_50 = arith.constant 0 : i32
      %dma_start3A_51 = tpu.memref_slice %arg12[%mul3A_37, %dma_start3A_50] : memref<10000x128xf32, #tpu.memory_space<vmem_shared>> -> memref<624x128xf32, #tpu.memory_space<vmem_shared>>
      tpu.enqueue_dma source(%dma_start3A_51 : memref<624x128xf32, #tpu.memory_space<vmem_shared>>) target(%dma_start3A_49 : memref<624x128xf32, #tpu.memory_space<hbm>>) target_semaphore(%run_scoped3A : memref<!tpu.dma_semaphore, #tpu.memory_space<semaphore_mem>>)
      %dma_wait3A_52 = arith.constant 0 : i32
      %dma_wait3A_53 = arith.constant 0 : i32
      %dma_wait3A_54 = tpu.memref_slice %arg6[%arg0, %dma_wait3A_52, %dma_wait3A_53] : memref<2x10000x128xf32, #tpu.memory_space<hbm>> -> memref<1x10000x128xf32, #tpu.memory_space<hbm>>
      %dma_wait3A_55 = tpu.memref_squeeze %dma_wait3A_54 : memref<1x10000x128xf32, #tpu.memory_space<hbm>> -> memref<10000x128xf32, #tpu.memory_space<hbm>>
      %dma_wait3A_56 = arith.constant 0 : i32
      %dma_wait3A_57 = tpu.memref_slice %dma_wait3A_55[%mul3A_39, %dma_wait3A_56] : memref<10000x128xf32, #tpu.memory_space<hbm>> -> memref<624x128xf32, #tpu.memory_space<hbm>>
      %dma_wait3A_58 = arith.constant 0 : i32
      %dma_wait3A_59 = tpu.memref_slice %arg12[%mul3A_37, %dma_wait3A_58] : memref<10000x128xf32, #tpu.memory_space<vmem_shared>> -> memref<624x128xf32, #tpu.memory_space<vmem_shared>>
      tpu.wait_dma2 semaphore(%run_scoped3A : memref<!tpu.dma_semaphore, #tpu.memory_space<semaphore_mem>>) src(%dma_wait3A_59 : memref<624x128xf32, #tpu.memory_space<vmem_shared>>) dst(%dma_wait3A_57 : memref<624x128xf32, #tpu.memory_space<hbm>>)
      tpu.yield
    }) : () -> ()
    %eq3A_40 = arith.constant 0 : i32
    %eq3A_41 = arith.cmpi eq, %arg1, %eq3A_40 : i32
    %convert_element_type3A_42 = arith.extui %eq3A_41 : i1 to i32
    %cond3A_43 = arith.constant 0 : i32
    %cond3A_44 = arith.cmpi ne, %convert_element_type3A_42, %cond3A_43 : i32
    scf.if %cond3A_44 {
      "tpu.region"() ({
        %run_scoped3A = tpu.sem_alloc : memref<!tpu.dma_semaphore, #tpu.memory_space<semaphore_mem>>
        %dma_start3A = arith.constant 0 : i32
        %dma_start3A_45 = arith.constant 0 : i32
        %dma_start3A_46 = tpu.memref_slice %arg6[%arg0, %dma_start3A, %dma_start3A_45] : memref<2x10000x128xf32, #tpu.memory_space<hbm>> -> memref<1x10000x128xf32, #tpu.memory_space<hbm>>
        %dma_start3A_47 = tpu.memref_squeeze %dma_start3A_46 : memref<1x10000x128xf32, #tpu.memory_space<hbm>> -> memref<10000x128xf32, #tpu.memory_space<hbm>>
        %dma_start3A_48 = arith.constant 9984 : i32
        %dma_start3A_49 = arith.constant 0 : i32
        %dma_start3A_50 = tpu.memref_slice %dma_start3A_47[%dma_start3A_48, %dma_start3A_49] : memref<10000x128xf32, #tpu.memory_space<hbm>> -> memref<16x128xf32, #tpu.memory_space<hbm>>
        %dma_start3A_51 = arith.constant 9984 : i32
        %dma_start3A_52 = arith.constant 0 : i32
        %dma_start3A_53 = tpu.memref_slice %arg12[%dma_start3A_51, %dma_start3A_52] : memref<10000x128xf32, #tpu.memory_space<vmem_shared>> -> memref<16x128xf32, #tpu.memory_space<vmem_shared>>
        tpu.enqueue_dma source(%dma_start3A_53 : memref<16x128xf32, #tpu.memory_space<vmem_shared>>) target(%dma_start3A_50 : memref<16x128xf32, #tpu.memory_space<hbm>>) target_semaphore(%run_scoped3A : memref<!tpu.dma_semaphore, #tpu.memory_space<semaphore_mem>>)
        %dma_wait3A_54 = arith.constant 0 : i32
        %dma_wait3A_55 = arith.constant 0 : i32
        %dma_wait3A_56 = tpu.memref_slice %arg6[%arg0, %dma_wait3A_54, %dma_wait3A_55] : memref<2x10000x128xf32, #tpu.memory_space<hbm>> -> memref<1x10000x128xf32, #tpu.memory_space<hbm>>
        %dma_wait3A_57 = tpu.memref_squeeze %dma_wait3A_56 : memref<1x10000x128xf32, #tpu.memory_space<hbm>> -> memref<10000x128xf32, #tpu.memory_space<hbm>>
        %dma_wait3A_58 = arith.constant 9984 : i32
        %dma_wait3A_59 = arith.constant 0 : i32
        %dma_wait3A_60 = tpu.memref_slice %dma_wait3A_57[%dma_wait3A_58, %dma_wait3A_59] : memref<10000x128xf32, #tpu.memory_space<hbm>> -> memref<16x128xf32, #tpu.memory_space<hbm>>
        %dma_wait3A_61 = arith.constant 9984 : i32
        %dma_wait3A_62 = arith.constant 0 : i32
        %dma_wait3A_63 = tpu.memref_slice %arg12[%dma_wait3A_61, %dma_wait3A_62] : memref<10000x128xf32, #tpu.memory_space<vmem_shared>> -> memref<16x128xf32, #tpu.memory_space<vmem_shared>>
        tpu.wait_dma2 semaphore(%run_scoped3A : memref<!tpu.dma_semaphore, #tpu.memory_space<semaphore_mem>>) src(%dma_wait3A_63 : memref<16x128xf32, #tpu.memory_space<vmem_shared>>) dst(%dma_wait3A_60 : memref<16x128xf32, #tpu.memory_space<hbm>>)
        tpu.yield
      }) : () -> ()
    } else {
    }
    return
  }
}

module attributes {stable_mosaic.version = 14 : i64} {
  func.func @_mm_body(%arg0: i32, %arg1: i32, %arg2: memref<1000x128xf32, #tpu.memory_space<vmem>>, %arg3: memref<128x1152xf32, #tpu.memory_space<vmem>>, %arg4: memref<9x1000x128xf32, #tpu.memory_space<vmem>>) attributes {dimension_semantics = [#tpu.dimension_semantics<arbitrary>, #tpu.dimension_semantics<arbitrary>], iteration_bounds = array<i64: 10, 3>, scalar_prefetch = 0 : i64, scratch_operands = 0 : i64, tpu.core_type = #tpu.core_type<tc>, window_params = [{transform_indices = @transform_0, window_bounds = array<i64: 1000, 128>}, {transform_indices = @transform_1, window_bounds = array<i64: 128, 1152>}, {transform_indices = @transform_2, window_bounds = array<i64: 9, 1000, 128>}]} {
    %get3A = arith.constant 0 : index
    %get3A_0 = arith.constant 0 : index
    %get3A_1 = vector.load %arg2[%get3A, %get3A_0] : memref<1000x128xf32, #tpu.memory_space<vmem>>, vector<1000x128xf32>
    %get3A_2 = arith.constant 0 : index
    %get3A_3 = arith.constant 0 : index
    %get3A_4 = vector.load %arg3[%get3A_2, %get3A_3] : memref<128x1152xf32, #tpu.memory_space<vmem>>, vector<128x1152xf32>
    %dot_general3A = arith.constant dense<0.000000e+00> : vector<1000x1152xf32>
    %dot_general3A_5 = tpu.matmul %get3A_1, %get3A_4, %dot_general3A {dimension_numbers = #tpu.dot_dimension_numbers<[1], [0], [0], [1], [0, 0, 1, 1], [], []>, transpose_lhs_hint = false} : vector<1000x128xf32>, vector<128x1152xf32>, vector<1000x1152xf32> -> vector<1000x1152xf32>
    %slice3A = vector.extract_strided_slice %dot_general3A_5 {offsets = [0, 0], sizes = [1000, 128], strides = [1, 1]} : vector<1000x1152xf32> to vector<1000x128xf32>
    %swap3A = arith.constant 0 : index
    %swap3A_6 = arith.constant 0 : index
    %swap3A_7 = arith.constant 0 : index
    %swap3A_8 = vector.load %arg4[%swap3A, %swap3A_6, %swap3A_7] : memref<9x1000x128xf32, #tpu.memory_space<vmem>>, vector<1x1000x128xf32>
    %swap3A_9 = vector.shape_cast %swap3A_8 : vector<1x1000x128xf32> to vector<1000x128xf32>
    %swap3A_10 = vector.shape_cast %slice3A : vector<1000x128xf32> to vector<1x1000x128xf32>
    tpu.vector_store %arg4[%swap3A, %swap3A_6, %swap3A_7], %swap3A_10 {strides = array<i32>} : memref<9x1000x128xf32, #tpu.memory_space<vmem>>, vector<1x1000x128xf32>,
    %slice3A_11 = vector.extract_strided_slice %dot_general3A_5 {offsets = [0, 128], sizes = [1000, 128], strides = [1, 1]} : vector<1000x1152xf32> to vector<1000x128xf32>
    %swap3A_12 = arith.constant 1 : index
    %swap3A_13 = arith.constant 0 : index
    %swap3A_14 = arith.constant 0 : index
    %swap3A_15 = vector.load %arg4[%swap3A_12, %swap3A_13, %swap3A_14] : memref<9x1000x128xf32, #tpu.memory_space<vmem>>, vector<1x1000x128xf32>
    %swap3A_16 = vector.shape_cast %swap3A_15 : vector<1x1000x128xf32> to vector<1000x128xf32>
    %swap3A_17 = vector.shape_cast %slice3A_11 : vector<1000x128xf32> to vector<1x1000x128xf32>
    tpu.vector_store %arg4[%swap3A_12, %swap3A_13, %swap3A_14], %swap3A_17 {strides = array<i32>} : memref<9x1000x128xf32, #tpu.memory_space<vmem>>, vector<1x1000x128xf32>,
    %slice3A_18 = vector.extract_strided_slice %dot_general3A_5 {offsets = [0, 256], sizes = [1000, 128], strides = [1, 1]} : vector<1000x1152xf32> to vector<1000x128xf32>
    %swap3A_19 = arith.constant 2 : index
    %swap3A_20 = arith.constant 0 : index
    %swap3A_21 = arith.constant 0 : index
    %swap3A_22 = vector.load %arg4[%swap3A_19, %swap3A_20, %swap3A_21] : memref<9x1000x128xf32, #tpu.memory_space<vmem>>, vector<1x1000x128xf32>
    %swap3A_23 = vector.shape_cast %swap3A_22 : vector<1x1000x128xf32> to vector<1000x128xf32>
    %swap3A_24 = vector.shape_cast %slice3A_18 : vector<1000x128xf32> to vector<1x1000x128xf32>
    tpu.vector_store %arg4[%swap3A_19, %swap3A_20, %swap3A_21], %swap3A_24 {strides = array<i32>} : memref<9x1000x128xf32, #tpu.memory_space<vmem>>, vector<1x1000x128xf32>,
    %slice3A_25 = vector.extract_strided_slice %dot_general3A_5 {offsets = [0, 384], sizes = [1000, 128], strides = [1, 1]} : vector<1000x1152xf32> to vector<1000x128xf32>
    %swap3A_26 = arith.constant 3 : index
    %swap3A_27 = arith.constant 0 : index
    %swap3A_28 = arith.constant 0 : index
    %swap3A_29 = vector.load %arg4[%swap3A_26, %swap3A_27, %swap3A_28] : memref<9x1000x128xf32, #tpu.memory_space<vmem>>, vector<1x1000x128xf32>
    %swap3A_30 = vector.shape_cast %swap3A_29 : vector<1x1000x128xf32> to vector<1000x128xf32>
    %swap3A_31 = vector.shape_cast %slice3A_25 : vector<1000x128xf32> to vector<1x1000x128xf32>
    tpu.vector_store %arg4[%swap3A_26, %swap3A_27, %swap3A_28], %swap3A_31 {strides = array<i32>} : memref<9x1000x128xf32, #tpu.memory_space<vmem>>, vector<1x1000x128xf32>,
    %slice3A_32 = vector.extract_strided_slice %dot_general3A_5 {offsets = [0, 512], sizes = [1000, 128], strides = [1, 1]} : vector<1000x1152xf32> to vector<1000x128xf32>
    %swap3A_33 = arith.constant 4 : index
    %swap3A_34 = arith.constant 0 : index
    %swap3A_35 = arith.constant 0 : index
    %swap3A_36 = vector.load %arg4[%swap3A_33, %swap3A_34, %swap3A_35] : memref<9x1000x128xf32, #tpu.memory_space<vmem>>, vector<1x1000x128xf32>
    %swap3A_37 = vector.shape_cast %swap3A_36 : vector<1x1000x128xf32> to vector<1000x128xf32>
    %swap3A_38 = vector.shape_cast %slice3A_32 : vector<1000x128xf32> to vector<1x1000x128xf32>
    tpu.vector_store %arg4[%swap3A_33, %swap3A_34, %swap3A_35], %swap3A_38 {strides = array<i32>} : memref<9x1000x128xf32, #tpu.memory_space<vmem>>, vector<1x1000x128xf32>,
    %slice3A_39 = vector.extract_strided_slice %dot_general3A_5 {offsets = [0, 640], sizes = [1000, 128], strides = [1, 1]} : vector<1000x1152xf32> to vector<1000x128xf32>
    %swap3A_40 = arith.constant 5 : index
    %swap3A_41 = arith.constant 0 : index
    %swap3A_42 = arith.constant 0 : index
    %swap3A_43 = vector.load %arg4[%swap3A_40, %swap3A_41, %swap3A_42] : memref<9x1000x128xf32, #tpu.memory_space<vmem>>, vector<1x1000x128xf32>
    %swap3A_44 = vector.shape_cast %swap3A_43 : vector<1x1000x128xf32> to vector<1000x128xf32>
    %swap3A_45 = vector.shape_cast %slice3A_39 : vector<1000x128xf32> to vector<1x1000x128xf32>
    tpu.vector_store %arg4[%swap3A_40, %swap3A_41, %swap3A_42], %swap3A_45 {strides = array<i32>} : memref<9x1000x128xf32, #tpu.memory_space<vmem>>, vector<1x1000x128xf32>,
    %slice3A_46 = vector.extract_strided_slice %dot_general3A_5 {offsets = [0, 768], sizes = [1000, 128], strides = [1, 1]} : vector<1000x1152xf32> to vector<1000x128xf32>
    %swap3A_47 = arith.constant 6 : index
    %swap3A_48 = arith.constant 0 : index
    %swap3A_49 = arith.constant 0 : index
    %swap3A_50 = vector.load %arg4[%swap3A_47, %swap3A_48, %swap3A_49] : memref<9x1000x128xf32, #tpu.memory_space<vmem>>, vector<1x1000x128xf32>
    %swap3A_51 = vector.shape_cast %swap3A_50 : vector<1x1000x128xf32> to vector<1000x128xf32>
    %swap3A_52 = vector.shape_cast %slice3A_46 : vector<1000x128xf32> to vector<1x1000x128xf32>
    tpu.vector_store %arg4[%swap3A_47, %swap3A_48, %swap3A_49], %swap3A_52 {strides = array<i32>} : memref<9x1000x128xf32, #tpu.memory_space<vmem>>, vector<1x1000x128xf32>,
    %slice3A_53 = vector.extract_strided_slice %dot_general3A_5 {offsets = [0, 896], sizes = [1000, 128], strides = [1, 1]} : vector<1000x1152xf32> to vector<1000x128xf32>
    %swap3A_54 = arith.constant 7 : index
    %swap3A_55 = arith.constant 0 : index
    %swap3A_56 = arith.constant 0 : index
    %swap3A_57 = vector.load %arg4[%swap3A_54, %swap3A_55, %swap3A_56] : memref<9x1000x128xf32, #tpu.memory_space<vmem>>, vector<1x1000x128xf32>
    %swap3A_58 = vector.shape_cast %swap3A_57 : vector<1x1000x128xf32> to vector<1000x128xf32>
    %swap3A_59 = vector.shape_cast %slice3A_53 : vector<1000x128xf32> to vector<1x1000x128xf32>
    tpu.vector_store %arg4[%swap3A_54, %swap3A_55, %swap3A_56], %swap3A_59 {strides = array<i32>} : memref<9x1000x128xf32, #tpu.memory_space<vmem>>, vector<1x1000x128xf32>,
    %slice3A_60 = vector.extract_strided_slice %dot_general3A_5 {offsets = [0, 1024], sizes = [1000, 128], strides = [1, 1]} : vector<1000x1152xf32> to vector<1000x128xf32>
    %swap3A_61 = arith.constant 8 : index
    %swap3A_62 = arith.constant 0 : index
    %swap3A_63 = arith.constant 0 : index
    %swap3A_64 = vector.load %arg4[%swap3A_61, %swap3A_62, %swap3A_63] : memref<9x1000x128xf32, #tpu.memory_space<vmem>>, vector<1x1000x128xf32>
    %swap3A_65 = vector.shape_cast %swap3A_64 : vector<1x1000x128xf32> to vector<1000x128xf32>
    %swap3A_66 = vector.shape_cast %slice3A_60 : vector<1000x128xf32> to vector<1x1000x128xf32>
    tpu.vector_store %arg4[%swap3A_61, %swap3A_62, %swap3A_63], %swap3A_66 {strides = array<i32>} : memref<9x1000x128xf32, #tpu.memory_space<vmem>>, vector<1x1000x128xf32>,
    return
  }
  func.func @transform_0(%arg0: i32, %arg1: i32) -> (i32, i32) {
    %c0_i32 = arith.constant 0 : i32
    %c0_i32_0 = arith.constant 0 : i32
    return %arg0, %c0_i32 : i32, i32
  }
  func.func @transform_1(%arg0: i32, %arg1: i32) -> (i32, i32) {
    %c0_i32 = arith.constant 0 : i32
    %c0_i32_0 = arith.constant 0 : i32
    return %c0_i32, %arg1 : i32, i32
  }
  func.func @transform_2(%arg0: i32, %arg1: i32) -> (i32, i32, i32) {
    %c0_i32 = arith.constant 0 : i32
    %c0_i32_0 = arith.constant 0 : i32
    return %arg1, %arg0, %c0_i32 : i32, i32, i32
  }
}

module attributes {stable_mosaic.version = 14 : i64} {
  func.func @_stats_body(%arg0: i32, %arg1: memref<2x1000x128xf32, #tpu.memory_space<vmem>>, %arg2: memref<1x128xf32, #tpu.memory_space<vmem>>, %arg3: memref<1x128xf32, #tpu.memory_space<vmem>>) attributes {dimension_semantics = [#tpu.dimension_semantics<arbitrary>], iteration_bounds = array<i64: 10>, scalar_prefetch = 0 : i64, scratch_operands = 0 : i64, tpu.core_type = #tpu.core_type<tc>, window_params = [{transform_indices = @transform_0, window_bounds = array<i64: 2, 1000, 128>}, {pipeline_mode = #tpu.pipeline_mode<synchronous>, transform_indices = @transform_1, window_bounds = array<i64: 1, 128>}, {pipeline_mode = #tpu.pipeline_mode<synchronous>, transform_indices = @transform_2, window_bounds = array<i64: 1, 128>}]} {
    %eq3A = arith.constant 0 : i32
    %eq3A_0 = arith.cmpi eq, %arg0, %eq3A : i32
    %convert_element_type3A = arith.extui %eq3A_0 : i1 to i32
    %cond3A = arith.constant 0 : i32
    %cond3A_1 = arith.cmpi ne, %convert_element_type3A, %cond3A : i32
    scf.if %cond3A_1 {
      %broadcast_in_dim3A_28 = arith.constant 0.000000e+00 : f32
      %broadcast_in_dim3A_29 = vector.broadcast %broadcast_in_dim3A_28 : f32 to vector<1x128xf32>
      %swap3A_30 = arith.constant 0 : index
      %swap3A_31 = arith.constant 0 : index
      %swap3A_32 = vector.load %arg2[%swap3A_30, %swap3A_31] : memref<1x128xf32, #tpu.memory_space<vmem>>, vector<1x128xf32>
      tpu.vector_store %arg2[%swap3A_30, %swap3A_31], %broadcast_in_dim3A_29 {strides = array<i32>} : memref<1x128xf32, #tpu.memory_space<vmem>>, vector<1x128xf32>,
      %broadcast_in_dim3A_33 = arith.constant 0.000000e+00 : f32
      %broadcast_in_dim3A_34 = vector.broadcast %broadcast_in_dim3A_33 : f32 to vector<1x128xf32>
      %swap3A_35 = arith.constant 0 : index
      %swap3A_36 = arith.constant 0 : index
      %swap3A_37 = vector.load %arg3[%swap3A_35, %swap3A_36] : memref<1x128xf32, #tpu.memory_space<vmem>>, vector<1x128xf32>
      tpu.vector_store %arg3[%swap3A_35, %swap3A_36], %broadcast_in_dim3A_34 {strides = array<i32>} : memref<1x128xf32, #tpu.memory_space<vmem>>, vector<1x128xf32>,
    } else {
    }
    %get3A = arith.constant 0 : index
    %get3A_2 = arith.constant 0 : index
    %get3A_3 = arith.constant 0 : index
    %get3A_4 = vector.load %arg1[%get3A, %get3A_2, %get3A_3] : memref<2x1000x128xf32, #tpu.memory_space<vmem>>, vector<1x1000x128xf32>
    %get3A_5 = vector.shape_cast %get3A_4 : vector<1x1000x128xf32> to vector<1000x128xf32>
    %get3A_6 = arith.constant 1 : index
    %get3A_7 = arith.constant 0 : index
    %get3A_8 = arith.constant 0 : index
    %get3A_9 = vector.load %arg1[%get3A_6, %get3A_7, %get3A_8] : memref<2x1000x128xf32, #tpu.memory_space<vmem>>, vector<1x1000x128xf32>
    %get3A_10 = vector.shape_cast %get3A_9 : vector<1x1000x128xf32> to vector<1000x128xf32>
    %add3A = arith.addf %get3A_5, %get3A_10 : vector<1000x128xf32>
    %get3A_11 = arith.constant 0 : index
    %get3A_12 = arith.constant 0 : index
    %get3A_13 = vector.load %arg2[%get3A_11, %get3A_12] : memref<1x128xf32, #tpu.memory_space<vmem>>, vector<1x128xf32>
    %reduce_sum3A = arith.constant dense<0.000000e+00> : vector<128xf32>
    %reduce_sum3A_14 = vector.multi_reduction <add>, %add3A, %reduce_sum3A [0] : vector<1000x128xf32> to vector<128xf32>
    %broadcast_in_dim3A = vector.shape_cast %reduce_sum3A_14 : vector<128xf32> to vector<1x128xf32>
    %add3A_15 = arith.addf %get3A_13, %broadcast_in_dim3A : vector<1x128xf32>
    %swap3A = arith.constant 0 : index
    %swap3A_16 = arith.constant 0 : index
    %swap3A_17 = vector.load %arg2[%swap3A, %swap3A_16] : memref<1x128xf32, #tpu.memory_space<vmem>>, vector<1x128xf32>
    tpu.vector_store %arg2[%swap3A, %swap3A_16], %add3A_15 {strides = array<i32>} : memref<1x128xf32, #tpu.memory_space<vmem>>, vector<1x128xf32>,
    %get3A_18 = arith.constant 0 : index
    %get3A_19 = arith.constant 0 : index
    %get3A_20 = vector.load %arg3[%get3A_18, %get3A_19] : memref<1x128xf32, #tpu.memory_space<vmem>>, vector<1x128xf32>
    %mul3A = arith.mulf %add3A, %add3A : vector<1000x128xf32>
    %reduce_sum3A_21 = arith.constant dense<0.000000e+00> : vector<128xf32>
    %reduce_sum3A_22 = vector.multi_reduction <add>, %mul3A, %reduce_sum3A_21 [0] : vector<1000x128xf32> to vector<128xf32>
    %broadcast_in_dim3A_23 = vector.shape_cast %reduce_sum3A_22 : vector<128xf32> to vector<1x128xf32>
    %add3A_24 = arith.addf %get3A_20, %broadcast_in_dim3A_23 : vector<1x128xf32>
    %swap3A_25 = arith.constant 0 : index
    %swap3A_26 = arith.constant 0 : index
    %swap3A_27 = vector.load %arg3[%swap3A_25, %swap3A_26] : memref<1x128xf32, #tpu.memory_space<vmem>>, vector<1x128xf32>
    tpu.vector_store %arg3[%swap3A_25, %swap3A_26], %add3A_24 {strides = array<i32>} : memref<1x128xf32, #tpu.memory_space<vmem>>, vector<1x128xf32>,
    return
  }
  func.func @transform_0(%arg0: i32) -> (i32, i32, i32) {
    %c0_i32 = arith.constant 0 : i32
    %c0_i32_0 = arith.constant 0 : i32
    %c0_i32_1 = arith.constant 0 : i32
    return %c0_i32, %arg0, %c0_i32_0 : i32, i32, i32
  }
  func.func @transform_1(%arg0: i32) -> (i32, i32) {
    %c0_i32 = arith.constant 0 : i32
    %c0_i32_0 = arith.constant 0 : i32
    %c0_i32_1 = arith.constant 0 : i32
    return %c0_i32, %c0_i32_0 : i32, i32
  }
  func.func @transform_2(%arg0: i32) -> (i32, i32) {
    %c0_i32 = arith.constant 0 : i32
    %c0_i32_0 = arith.constant 0 : i32
    %c0_i32_1 = arith.constant 0 : i32
    return %c0_i32, %c0_i32_0 : i32, i32
  }
}

module attributes {stable_mosaic.version = 14 : i64} {
  func.func @_mm_norm_body(%arg0: i32, %arg1: i32, %arg2: memref<2x1000x128xf32, #tpu.memory_space<vmem>>, %arg3: memref<1x128xf32, #tpu.memory_space<vmem>>, %arg4: memref<1x128xf32, #tpu.memory_space<vmem>>, %arg5: memref<128x1152xf32, #tpu.memory_space<vmem>>, %arg6: memref<9x1000x128xf32, #tpu.memory_space<vmem>>) attributes {dimension_semantics = [#tpu.dimension_semantics<arbitrary>, #tpu.dimension_semantics<arbitrary>], iteration_bounds = array<i64: 10, 3>, scalar_prefetch = 0 : i64, scratch_operands = 0 : i64, tpu.core_type = #tpu.core_type<tc>, window_params = [{transform_indices = @transform_0, window_bounds = array<i64: 2, 1000, 128>}, {pipeline_mode = #tpu.pipeline_mode<synchronous>, transform_indices = @transform_1, window_bounds = array<i64: 1, 128>}, {pipeline_mode = #tpu.pipeline_mode<synchronous>, transform_indices = @transform_2, window_bounds = array<i64: 1, 128>}, {transform_indices = @transform_3, window_bounds = array<i64: 128, 1152>}, {transform_indices = @transform_4, window_bounds = array<i64: 9, 1000, 128>}]} {
    %get3A = arith.constant 0 : index
    %get3A_0 = arith.constant 0 : index
    %get3A_1 = arith.constant 0 : index
    %get3A_2 = vector.load %arg2[%get3A, %get3A_0, %get3A_1] : memref<2x1000x128xf32, #tpu.memory_space<vmem>>, vector<1x1000x128xf32>
    %get3A_3 = vector.shape_cast %get3A_2 : vector<1x1000x128xf32> to vector<1000x128xf32>
    %get3A_4 = arith.constant 1 : index
    %get3A_5 = arith.constant 0 : index
    %get3A_6 = arith.constant 0 : index
    %get3A_7 = vector.load %arg2[%get3A_4, %get3A_5, %get3A_6] : memref<2x1000x128xf32, #tpu.memory_space<vmem>>, vector<1x1000x128xf32>
    %get3A_8 = vector.shape_cast %get3A_7 : vector<1x1000x128xf32> to vector<1000x128xf32>
    %add3A = arith.addf %get3A_3, %get3A_8 : vector<1000x128xf32>
    %get3A_9 = arith.constant 0 : index
    %get3A_10 = arith.constant 0 : index
    %get3A_11 = vector.load %arg3[%get3A_9, %get3A_10] : memref<1x128xf32, #tpu.memory_space<vmem>>, vector<1x128xf32>
    %mul3A = vector.broadcast %get3A_11 : vector<1x128xf32> to vector<1000x128xf32>
    %mul3A_12 = arith.mulf %add3A, %mul3A : vector<1000x128xf32>
    %get3A_13 = arith.constant 0 : index
    %get3A_14 = arith.constant 0 : index
    %get3A_15 = vector.load %arg4[%get3A_13, %get3A_14] : memref<1x128xf32, #tpu.memory_space<vmem>>, vector<1x128xf32>
    %add3A_16 = vector.broadcast %get3A_15 : vector<1x128xf32> to vector<1000x128xf32>
    %add3A_17 = arith.addf %mul3A_12, %add3A_16 : vector<1000x128xf32>
    %max3A = arith.constant 0.000000e+00 : f32
    %max3A_18 = vector.broadcast %max3A : f32 to vector<1000x128xf32>
    %max3A_19 = arith.maximumf %add3A_17, %max3A_18 : vector<1000x128xf32>
    %get3A_20 = arith.constant 0 : index
    %get3A_21 = arith.constant 0 : index
    %get3A_22 = vector.load %arg5[%get3A_20, %get3A_21] : memref<128x1152xf32, #tpu.memory_space<vmem>>, vector<128x1152xf32>
    %dot_general3A = arith.constant dense<0.000000e+00> : vector<1000x1152xf32>
    %dot_general3A_23 = tpu.matmul %max3A_19, %get3A_22, %dot_general3A {dimension_numbers = #tpu.dot_dimension_numbers<[1], [0], [0], [1], [0, 0, 1, 1], [], []>, transpose_lhs_hint = false} : vector<1000x128xf32>, vector<128x1152xf32>, vector<1000x1152xf32> -> vector<1000x1152xf32>
    %slice3A = vector.extract_strided_slice %dot_general3A_23 {offsets = [0, 0], sizes = [1000, 128], strides = [1, 1]} : vector<1000x1152xf32> to vector<1000x128xf32>
    %swap3A = arith.constant 0 : index
    %swap3A_24 = arith.constant 0 : index
    %swap3A_25 = arith.constant 0 : index
    %swap3A_26 = vector.load %arg6[%swap3A, %swap3A_24, %swap3A_25] : memref<9x1000x128xf32, #tpu.memory_space<vmem>>, vector<1x1000x128xf32>
    %swap3A_27 = vector.shape_cast %swap3A_26 : vector<1x1000x128xf32> to vector<1000x128xf32>
    %swap3A_28 = vector.shape_cast %slice3A : vector<1000x128xf32> to vector<1x1000x128xf32>
    tpu.vector_store %arg6[%swap3A, %swap3A_24, %swap3A_25], %swap3A_28 {strides = array<i32>} : memref<9x1000x128xf32, #tpu.memory_space<vmem>>, vector<1x1000x128xf32>,
    %slice3A_29 = vector.extract_strided_slice %dot_general3A_23 {offsets = [0, 128], sizes = [1000, 128], strides = [1, 1]} : vector<1000x1152xf32> to vector<1000x128xf32>
    %swap3A_30 = arith.constant 1 : index
    %swap3A_31 = arith.constant 0 : index
    %swap3A_32 = arith.constant 0 : index
    %swap3A_33 = vector.load %arg6[%swap3A_30, %swap3A_31, %swap3A_32] : memref<9x1000x128xf32, #tpu.memory_space<vmem>>, vector<1x1000x128xf32>
    %swap3A_34 = vector.shape_cast %swap3A_33 : vector<1x1000x128xf32> to vector<1000x128xf32>
    %swap3A_35 = vector.shape_cast %slice3A_29 : vector<1000x128xf32> to vector<1x1000x128xf32>
    tpu.vector_store %arg6[%swap3A_30, %swap3A_31, %swap3A_32], %swap3A_35 {strides = array<i32>} : memref<9x1000x128xf32, #tpu.memory_space<vmem>>, vector<1x1000x128xf32>,
    %slice3A_36 = vector.extract_strided_slice %dot_general3A_23 {offsets = [0, 256], sizes = [1000, 128], strides = [1, 1]} : vector<1000x1152xf32> to vector<1000x128xf32>
    %swap3A_37 = arith.constant 2 : index
    %swap3A_38 = arith.constant 0 : index
    %swap3A_39 = arith.constant 0 : index
    %swap3A_40 = vector.load %arg6[%swap3A_37, %swap3A_38, %swap3A_39] : memref<9x1000x128xf32, #tpu.memory_space<vmem>>, vector<1x1000x128xf32>
    %swap3A_41 = vector.shape_cast %swap3A_40 : vector<1x1000x128xf32> to vector<1000x128xf32>
    %swap3A_42 = vector.shape_cast %slice3A_36 : vector<1000x128xf32> to vector<1x1000x128xf32>
    tpu.vector_store %arg6[%swap3A_37, %swap3A_38, %swap3A_39], %swap3A_42 {strides = array<i32>} : memref<9x1000x128xf32, #tpu.memory_space<vmem>>, vector<1x1000x128xf32>,
    %slice3A_43 = vector.extract_strided_slice %dot_general3A_23 {offsets = [0, 384], sizes = [1000, 128], strides = [1, 1]} : vector<1000x1152xf32> to vector<1000x128xf32>
    %swap3A_44 = arith.constant 3 : index
    %swap3A_45 = arith.constant 0 : index
    %swap3A_46 = arith.constant 0 : index
    %swap3A_47 = vector.load %arg6[%swap3A_44, %swap3A_45, %swap3A_46] : memref<9x1000x128xf32, #tpu.memory_space<vmem>>, vector<1x1000x128xf32>
    %swap3A_48 = vector.shape_cast %swap3A_47 : vector<1x1000x128xf32> to vector<1000x128xf32>
    %swap3A_49 = vector.shape_cast %slice3A_43 : vector<1000x128xf32> to vector<1x1000x128xf32>
    tpu.vector_store %arg6[%swap3A_44, %swap3A_45, %swap3A_46], %swap3A_49 {strides = array<i32>} : memref<9x1000x128xf32, #tpu.memory_space<vmem>>, vector<1x1000x128xf32>,
    %slice3A_50 = vector.extract_strided_slice %dot_general3A_23 {offsets = [0, 512], sizes = [1000, 128], strides = [1, 1]} : vector<1000x1152xf32> to vector<1000x128xf32>
    %swap3A_51 = arith.constant 4 : index
    %swap3A_52 = arith.constant 0 : index
    %swap3A_53 = arith.constant 0 : index
    %swap3A_54 = vector.load %arg6[%swap3A_51, %swap3A_52, %swap3A_53] : memref<9x1000x128xf32, #tpu.memory_space<vmem>>, vector<1x1000x128xf32>
    %swap3A_55 = vector.shape_cast %swap3A_54 : vector<1x1000x128xf32> to vector<1000x128xf32>
    %swap3A_56 = vector.shape_cast %slice3A_50 : vector<1000x128xf32> to vector<1x1000x128xf32>
    tpu.vector_store %arg6[%swap3A_51, %swap3A_52, %swap3A_53], %swap3A_56 {strides = array<i32>} : memref<9x1000x128xf32, #tpu.memory_space<vmem>>, vector<1x1000x128xf32>,
    %slice3A_57 = vector.extract_strided_slice %dot_general3A_23 {offsets = [0, 640], sizes = [1000, 128], strides = [1, 1]} : vector<1000x1152xf32> to vector<1000x128xf32>
    %swap3A_58 = arith.constant 5 : index
    %swap3A_59 = arith.constant 0 : index
    %swap3A_60 = arith.constant 0 : index
    %swap3A_61 = vector.load %arg6[%swap3A_58, %swap3A_59, %swap3A_60] : memref<9x1000x128xf32, #tpu.memory_space<vmem>>, vector<1x1000x128xf32>
    %swap3A_62 = vector.shape_cast %swap3A_61 : vector<1x1000x128xf32> to vector<1000x128xf32>
    %swap3A_63 = vector.shape_cast %slice3A_57 : vector<1000x128xf32> to vector<1x1000x128xf32>
    tpu.vector_store %arg6[%swap3A_58, %swap3A_59, %swap3A_60], %swap3A_63 {strides = array<i32>} : memref<9x1000x128xf32, #tpu.memory_space<vmem>>, vector<1x1000x128xf32>,
    %slice3A_64 = vector.extract_strided_slice %dot_general3A_23 {offsets = [0, 768], sizes = [1000, 128], strides = [1, 1]} : vector<1000x1152xf32> to vector<1000x128xf32>
    %swap3A_65 = arith.constant 6 : index
    %swap3A_66 = arith.constant 0 : index
    %swap3A_67 = arith.constant 0 : index
    %swap3A_68 = vector.load %arg6[%swap3A_65, %swap3A_66, %swap3A_67] : memref<9x1000x128xf32, #tpu.memory_space<vmem>>, vector<1x1000x128xf32>
    %swap3A_69 = vector.shape_cast %swap3A_68 : vector<1x1000x128xf32> to vector<1000x128xf32>
    %swap3A_70 = vector.shape_cast %slice3A_64 : vector<1000x128xf32> to vector<1x1000x128xf32>
    tpu.vector_store %arg6[%swap3A_65, %swap3A_66, %swap3A_67], %swap3A_70 {strides = array<i32>} : memref<9x1000x128xf32, #tpu.memory_space<vmem>>, vector<1x1000x128xf32>,
    %slice3A_71 = vector.extract_strided_slice %dot_general3A_23 {offsets = [0, 896], sizes = [1000, 128], strides = [1, 1]} : vector<1000x1152xf32> to vector<1000x128xf32>
    %swap3A_72 = arith.constant 7 : index
    %swap3A_73 = arith.constant 0 : index
    %swap3A_74 = arith.constant 0 : index
    %swap3A_75 = vector.load %arg6[%swap3A_72, %swap3A_73, %swap3A_74] : memref<9x1000x128xf32, #tpu.memory_space<vmem>>, vector<1x1000x128xf32>
    %swap3A_76 = vector.shape_cast %swap3A_75 : vector<1x1000x128xf32> to vector<1000x128xf32>
    %swap3A_77 = vector.shape_cast %slice3A_71 : vector<1000x128xf32> to vector<1x1000x128xf32>
    tpu.vector_store %arg6[%swap3A_72, %swap3A_73, %swap3A_74], %swap3A_77 {strides = array<i32>} : memref<9x1000x128xf32, #tpu.memory_space<vmem>>, vector<1x1000x128xf32>,
    %slice3A_78 = vector.extract_strided_slice %dot_general3A_23 {offsets = [0, 1024], sizes = [1000, 128], strides = [1, 1]} : vector<1000x1152xf32> to vector<1000x128xf32>
    %swap3A_79 = arith.constant 8 : index
    %swap3A_80 = arith.constant 0 : index
    %swap3A_81 = arith.constant 0 : index
    %swap3A_82 = vector.load %arg6[%swap3A_79, %swap3A_80, %swap3A_81] : memref<9x1000x128xf32, #tpu.memory_space<vmem>>, vector<1x1000x128xf32>
    %swap3A_83 = vector.shape_cast %swap3A_82 : vector<1x1000x128xf32> to vector<1000x128xf32>
    %swap3A_84 = vector.shape_cast %slice3A_78 : vector<1000x128xf32> to vector<1x1000x128xf32>
    tpu.vector_store %arg6[%swap3A_79, %swap3A_80, %swap3A_81], %swap3A_84 {strides = array<i32>} : memref<9x1000x128xf32, #tpu.memory_space<vmem>>, vector<1x1000x128xf32>,
    return
  }
  func.func @transform_0(%arg0: i32, %arg1: i32) -> (i32, i32, i32) {
    %c0_i32 = arith.constant 0 : i32
    %c0_i32_0 = arith.constant 0 : i32
    %c0_i32_1 = arith.constant 0 : i32
    return %c0_i32, %arg0, %c0_i32_0 : i32, i32, i32
  }
  func.func @transform_1(%arg0: i32, %arg1: i32) -> (i32, i32) {
    %c0_i32 = arith.constant 0 : i32
    %c0_i32_0 = arith.constant 0 : i32
    %c0_i32_1 = arith.constant 0 : i32
    return %c0_i32, %c0_i32_0 : i32, i32
  }
  func.func @transform_2(%arg0: i32, %arg1: i32) -> (i32, i32) {
    %c0_i32 = arith.constant 0 : i32
    %c0_i32_0 = arith.constant 0 : i32
    %c0_i32_1 = arith.constant 0 : i32
    return %c0_i32, %c0_i32_0 : i32, i32
  }
  func.func @transform_3(%arg0: i32, %arg1: i32) -> (i32, i32) {
    %c0_i32 = arith.constant 0 : i32
    %c0_i32_0 = arith.constant 0 : i32
    return %c0_i32, %arg1 : i32, i32
  }
  func.func @transform_4(%arg0: i32, %arg1: i32) -> (i32, i32, i32) {
    %c0_i32 = arith.constant 0 : i32
    %c0_i32_0 = arith.constant 0 : i32
    return %arg1, %arg0, %c0_i32 : i32, i32, i32
  }
}

module attributes {stable_mosaic.version = 14 : i64} {
  func.func @_final_body(%arg0: i32, %arg1: memref<2x1000x128xf32, #tpu.memory_space<vmem>>, %arg2: memref<1x128xf32, #tpu.memory_space<vmem>>, %arg3: memref<1x128xf32, #tpu.memory_space<vmem>>, %arg4: memref<1000x128xf32, #tpu.memory_space<vmem>>, %arg5: memref<1000x128xf32, #tpu.memory_space<vmem>>) attributes {dimension_semantics = [#tpu.dimension_semantics<arbitrary>], iteration_bounds = array<i64: 10>, scalar_prefetch = 0 : i64, scratch_operands = 0 : i64, tpu.core_type = #tpu.core_type<tc>, window_params = [{transform_indices = @transform_0, window_bounds = array<i64: 2, 1000, 128>}, {pipeline_mode = #tpu.pipeline_mode<synchronous>, transform_indices = @transform_1, window_bounds = array<i64: 1, 128>}, {pipeline_mode = #tpu.pipeline_mode<synchronous>, transform_indices = @transform_2, window_bounds = array<i64: 1, 128>}, {transform_indices = @transform_3, window_bounds = array<i64: 1000, 128>}, {transform_indices = @transform_4, window_bounds = array<i64: 1000, 128>}]} {
    %get3A = arith.constant 0 : index
    %get3A_0 = arith.constant 0 : index
    %get3A_1 = arith.constant 0 : index
    %get3A_2 = vector.load %arg1[%get3A, %get3A_0, %get3A_1] : memref<2x1000x128xf32, #tpu.memory_space<vmem>>, vector<1x1000x128xf32>
    %get3A_3 = vector.shape_cast %get3A_2 : vector<1x1000x128xf32> to vector<1000x128xf32>
    %get3A_4 = arith.constant 1 : index
    %get3A_5 = arith.constant 0 : index
    %get3A_6 = arith.constant 0 : index
    %get3A_7 = vector.load %arg1[%get3A_4, %get3A_5, %get3A_6] : memref<2x1000x128xf32, #tpu.memory_space<vmem>>, vector<1x1000x128xf32>
    %get3A_8 = vector.shape_cast %get3A_7 : vector<1x1000x128xf32> to vector<1000x128xf32>
    %add3A = arith.addf %get3A_3, %get3A_8 : vector<1000x128xf32>
    %get3A_9 = arith.constant 0 : index
    %get3A_10 = arith.constant 0 : index
    %get3A_11 = vector.load %arg2[%get3A_9, %get3A_10] : memref<1x128xf32, #tpu.memory_space<vmem>>, vector<1x128xf32>
    %mul3A = vector.broadcast %get3A_11 : vector<1x128xf32> to vector<1000x128xf32>
    %mul3A_12 = arith.mulf %add3A, %mul3A : vector<1000x128xf32>
    %get3A_13 = arith.constant 0 : index
    %get3A_14 = arith.constant 0 : index
    %get3A_15 = vector.load %arg3[%get3A_13, %get3A_14] : memref<1x128xf32, #tpu.memory_space<vmem>>, vector<1x128xf32>
    %add3A_16 = vector.broadcast %get3A_15 : vector<1x128xf32> to vector<1000x128xf32>
    %add3A_17 = arith.addf %mul3A_12, %add3A_16 : vector<1000x128xf32>
    %get3A_18 = arith.constant 0 : index
    %get3A_19 = arith.constant 0 : index
    %get3A_20 = vector.load %arg4[%get3A_18, %get3A_19] : memref<1000x128xf32, #tpu.memory_space<vmem>>, vector<1000x128xf32>
    %add3A_21 = arith.addf %add3A_17, %get3A_20 : vector<1000x128xf32>
    %max3A = arith.constant 0.000000e+00 : f32
    %max3A_22 = vector.broadcast %max3A : f32 to vector<1000x128xf32>
    %max3A_23 = arith.maximumf %add3A_21, %max3A_22 : vector<1000x128xf32>
    %swap3A = arith.constant 0 : index
    %swap3A_24 = arith.constant 0 : index
    %swap3A_25 = vector.load %arg5[%swap3A, %swap3A_24] : memref<1000x128xf32, #tpu.memory_space<vmem>>, vector<1000x128xf32>
    tpu.vector_store %arg5[%swap3A, %swap3A_24], %max3A_23 {strides = array<i32>} : memref<1000x128xf32, #tpu.memory_space<vmem>>, vector<1000x128xf32>,
    return
  }
  func.func @transform_0(%arg0: i32) -> (i32, i32, i32) {
    %c0_i32 = arith.constant 0 : i32
    %c0_i32_0 = arith.constant 0 : i32
    %c0_i32_1 = arith.constant 0 : i32
    return %c0_i32, %arg0, %c0_i32_0 : i32, i32, i32
  }
  func.func @transform_1(%arg0: i32) -> (i32, i32) {
    %c0_i32 = arith.constant 0 : i32
    %c0_i32_0 = arith.constant 0 : i32
    %c0_i32_1 = arith.constant 0 : i32
    return %c0_i32, %c0_i32_0 : i32, i32
  }
  func.func @transform_2(%arg0: i32) -> (i32, i32) {
    %c0_i32 = arith.constant 0 : i32
    %c0_i32_0 = arith.constant 0 : i32
    %c0_i32_1 = arith.constant 0 : i32
    return %c0_i32, %c0_i32_0 : i32, i32
  }
  func.func @transform_3(%arg0: i32) -> (i32, i32) {
    %c0_i32 = arith.constant 0 : i32
    %c0_i32_0 = arith.constant 0 : i32
    return %arg0, %c0_i32 : i32, i32
  }
  func.func @transform_4(%arg0: i32) -> (i32, i32) {
    %c0_i32 = arith.constant 0 : i32
    %c0_i32_0 = arith.constant 0 : i32
    return %arg0, %c0_i32 : i32, i32
  }
}

</mosaic_0001>

<sc_bundles>
// kernel: kernel.12.cloned.1.call-start
scs
__scs_entry_jumppad:
0x0: {  	(pc) =	sbr.rel $0x88, $3  }
0x1: {  	(tag) =	ssettag $0x0;
	lr =	simm.s32 $0x1  }
0x2: {  	[smem:$0x3F99] =	sst lr;
	_ =	strace $0xD0000000  }
0x3: {  	_ = 	snop  }
0x4: {  	_ = 	snop  }
0x5: {  	_ = 	snop  }
0x6: {  	_ = 	snop  }
0x7: {  	_ = 	snop  }
__scs_overlays_trampoline_lowered:
0x8: {  	[smem:$0x3FA8] =	sst s0  }
0x9: {  	[smem:$0x3FA9] =	sst s1  }
0xa: {  	[smem:$0x3FAA] =	sst s2  }
0xb: {  	[smem:$0x3FAB] =	sst s3  }
0xc: {  	[smem:$0x3FAC] =	sst s4  }
0xd: {  	[smem:$0x3FAD] =	sst s5  }
0xe: {  	[smem:$0x3FAE] =	sst s6  }
0xf: {  	[smem:$0x3FAF] =	sst s7  }
0x10: {  	[smem:$0x3FB0] =	sst s8  }
0x11: {  	[smem:$0x3FB1] =	sst s9;
	s0 =	simm.s32 @!p0 $0x0  }
0x12: {  	s1 =	sld [smem:$0x3F97];
	s0 =	simm.s32 @p0 $0x1  }
0x13: {  	[smem:$0x3FB2] =	sst s0;
	s0 =	simm.s32 @!p1 $0x0  }
0x14: {  	s2 =	sld [smem:$0x3F96];
	s0 =	simm.s32 @p1 $0x1  }
0x15: {  	[smem:$0x3FB3] =	sst s0;
	s0 =	simm.s32 @!p2 $0x0  }
0x16: {  	s3 =	sld [smem:$0x3FDB];
	s0 =	simm.s32 @p2 $0x1  }
0x17: {  	s4 =	simm.s32 $0x1BF5;
	[smem:$0x3FB5] =	sst s0  }
0x18: {  	s0 =	sld [smem:$0x3F98];
	_ =	swait.ge [sflag:s4], $0x0  }
0x19: {  	s7 =	sld [smem:$0x3F99]  }
0x1a: {  	s8 =	sadd.s32 $0xFFFFE003, lr  }
0x1b: {  	s9 =	sadd.s32 $0xFFFFFEF7, lr;
	s5 =	simm.s32 $0xFFFFFFFF;
	p2 =	slt.u32 s8, $0xFFFFF086  }
0x1c: {  	p1 =	slt.u32 s9, $0xF7A;
	s5 =	simm.s32 @!p2 $0x0  }
0x1d: {  	s5 =	simm.s32 @p1 $0x1;
	p0 =	seq.s32 s7, s2  }
0x1e: {  	s7 =	smul.u32 @!p0 $0xF7A, s2;
	p2 =	seq.s32 @!p0 s5, $0x0  }
0x1f: {  	s9 =	smul.u32 $0xF7A, s1;
	s8 =	simm.s32 @!p0 $0x1BF5;
	p2 =	por !p2, p0  }
0x20: {  	[sflag:s8] =	ssyncset.s32 @!p0 $0xFFFFF086;
	s6 =	sadd.s32 @!p0 s3, s7;
	s7 =	simm.s32 @!p0 $0x108  }
0x21: {  	s3 =	sadd.s32 s3, s9;
	s6 =	sadd.s32 @!p0 $0x88, s6;
	s7 =	simm.s32 @p2 $0x1082  }
0x22: {  	[simem:s7], [sflag:s8] =	dma.local @!p0 [hbm:s6], $0xF7A  }
0x23: {  	s9 =	sor.u32 $0xD0000000, s2;
	s6 =	simm.s32 $0x108;
	_ =	swait.ge @!p0 [sflag:s8], $0x0  }
0x24: {  	s3 =	sadd.s32 $0x88, s3;
	s6 =	simm.s32 @!p1 $0x1082;
	[sflag:s4] =	ssyncset.s32 $0xFFFFF086  }
0x25: {  	[simem:s6], [sflag:s4] =	dma.local [hbm:s3], $0xF7A  }
0x26: {  	[smem:$0x3F99] =	sst s1;
	(tag) =	ssettag s2;
	_ =	strace s9  }
0x27: {  	s1 =	sld [smem:$0x3FA9]  }
0x28: {  	s2 =	sld [smem:$0x3FAA]  }
0x29: {  	s4 =	sld [smem:$0x3FAC]  }
0x2a: {  	p0 =	seq.s32 s5, $0x0;
	s5 =	sld [smem:$0x3FAD]  }
0x2b: {  	s6 =	sld [smem:$0x3FAE]  }
0x2c: {  	s7 =	sld [smem:$0x3FAF]  }
0x2d: {  	s3 =	simm.s32 $0x108;
	s8 =	sld [smem:$0x3FB0]  }
0x2e: {  	s3 =	simm.s32 @!p0 $0x1082;
	s9 =	sld [smem:$0x3FB1]  }
0x2f: {  	lr =	sadd.s32 s0, s3;
	s0 =	sld [smem:$0x3FA8]  }
0x30: {  	s3 =	sld [smem:$0x3FAB]  }
0x31: {  	[smem:$0x3FB4] =	sst s10  }
0x32: {  	s10 =	sld [smem:$0x3FB2];
	_ =	sdelay $0x3  }
0x33: {  	p0 =	seq.s32 s10, $0x1;
	s10 =	sld [smem:$0x3FB4];
	_ =	sdelay $0x3  }
0x34: {  	[smem:$0x3FB4] =	sst s10  }
0x35: {  	s10 =	sld [smem:$0x3FB3];
	_ =	sdelay $0x3  }
0x36: {  	p1 =	seq.s32 s10, $0x1;
	s10 =	sld [smem:$0x3FB4];
	_ =	sdelay $0x3  }
0x37: {  	[smem:$0x3FB4] =	sst s10  }
0x38: {  	s10 =	sld [smem:$0x3FB5]  }
0x39: {  	_ = 	snop;
	(pc) =	sbr.ind lr, $3  }
0x3a: {  	_ = 	snop  }
0x3b: {  	_ = 	snop  }
0x3c: {  	p2 =	seq.s32 s10, $0x1;
	s10 =	sld [smem:$0x3FB4]  }
0x3d: {  	_ =	shalt  }
0x3e: {  	_ =	shalt  }
0x3f: {  	_ =	shalt  }
0x40: {  	_ =	shalt  }
0x41: {  	_ =	shalt  }
0x42: {  	_ =	shalt  }
0x43: {  	_ =	shalt  }
0x44: {  	_ =	shalt  }
0x45: {  	_ =	shalt  }
0x46: {  	_ =	shalt  }
0x47: {  	_ =	shalt  }
0x48: {  	_ =	shalt  }
0x49: {  	_ =	shalt  }
0x4a: {  	_ =	shalt  }
0x4b: {  	_ =	shalt  }
0x4c: {  	_ =	shalt  }
0x4d: {  	_ =	shalt  }
0x4e: {  	_ =	shalt  }
0x4f: {  	_ =	shalt  }
0x50: {  	_ =	shalt  }
0x51: {  	_ =	shalt  }
0x52: {  	_ =	shalt  }
0x53: {  	_ =	shalt  }
0x54: {  	_ =	shalt  }
0x55: {  	_ =	shalt  }
0x56: {  	_ =	shalt  }
0x57: {  	_ =	shalt  }
0x58: {  	_ =	shalt  }
0x59: {  	_ =	shalt  }
0x5a: {  	_ =	shalt  }
0x5b: {  	_ =	shalt  }
0x5c: {  	_ =	shalt  }
0x5d: {  	_ =	shalt  }
0x5e: {  	_ =	shalt  }
0x5f: {  	_ =	shalt  }
0x60: {  	_ =	shalt  }
0x61: {  	_ =	shalt  }
0x62: {  	_ =	shalt  }
0x63: {  	_ =	shalt  }
0x64: {  	_ =	shalt  }
0x65: {  	_ =	shalt  }
0x66: {  	_ =	shalt  }
0x67: {  	_ =	shalt  }
0x68: {  	_ =	shalt  }
0x69: {  	_ =	shalt  }
0x6a: {  	_ =	shalt  }
0x6b: {  	_ =	shalt  }
0x6c: {  	_ =	shalt  }
0x6d: {  	_ =	shalt  }
0x6e: {  	_ =	shalt  }
0x6f: {  	_ =	shalt  }
0x70: {  	_ =	shalt  }
0x71: {  	_ =	shalt  }
0x72: {  	_ =	shalt  }
0x73: {  	_ =	shalt  }
0x74: {  	_ =	shalt  }
0x75: {  	_ =	shalt  }
0x76: {  	_ =	shalt  }
0x77: {  	_ =	shalt  }
0x78: {  	_ =	shalt  }
0x79: {  	_ =	shalt  }
0x7a: {  	_ =	shalt  }
0x7b: {  	_ =	shalt  }
0x7c: {  	_ =	shalt  }
0x7d: {  	_ =	shalt  }
0x7e: {  	_ =	shalt  }
0x7f: {  	_ =	shalt  }
0x80: {  	_ =	shalt  }
0x81: {  	_ =	shalt  }
0x82: {  	_ =	shalt  }
0x83: {  	_ =	shalt  }
0x84: {  	_ =	shalt  }
0x85: {  	_ =	shalt  }
0x86: {  	_ =	shalt  }
0x87: {  	_ =	shalt  }
.Lfunc_end0:
.L_simem_size_0:
called_computation.1_lowered:
.L_overlay_start_0:
0x88: {  	s2 =	sld [smem:$0x3FD9]  }
0x89: {  	s3 =	sld [smem:$0x3FFE];
	_ =	sdelay $0x1  }
0x8a: {  	s1 =	srdreg.scid  }
0x8b: {  	s0 =	sand.u32 $0x1, s1  }
0x8c: {  	s17 =	sshll.u32 s0, $0xA;
	s2 =	sadd.s32 s3, s2  }
0x8d: {  	s2 =	sadd.s32 s2, s17  }
0x8e: {  	[smem:$0x3FC0] =	sst s2  }
0x8f: {  	_ = 	snop  }
0x90: {  	s2 =	sld [smem:$0x3FD0];
	(tm) =	ssettm $0x1  }
0x91: {  	s18 =	sld [smem:$0x3FFB];
	_ =	sdelay $0x3  }
0x92: {  	_ =	strace s18  }
0x93: {  	s3 =	sld [smem:$0x3FFC];
	_ =	sdelay $0x3  }
0x94: {  	_ =	strace s3  }
0x95: {  	s3 =	sld [smem:$0x3FFD];
	_ =	sdelay $0x3  }
0x96: {  	_ =	strace s3  }
0x97: {  	_ =	strace $0x8FFFFFFF  }
0x98: {  	s19 =	sld [smem:$0x3FDB];
	_ =	sdelay $0x1  }
0x99: {  	s4 =	simm.s32 $_scs_section_size  }
0x9a: {  	s5 =	simm.s32 $_size__tile_overlayer_lowered;
	s6 =	simm.s32 $_tile_overlayer_lowered  }
0x9b: {  	s22 =	simm.s32 $0x1BFF;
	s21 =	sshll.u32 s6, $0x1;
	s3 =	sadd.s32 s4, s19  }
0x9c: {  	s7 =	simm.s32 $0x0;
	s20 =	sshll.u32 s5, $0x1;
	s5 =	sadd.s32 s21, s3  }
0x9d: {  	[timem:s7], [sflag:s22] =	dma.local [hbm:s5], s20  }
0x9e: {  	_ =	swait.ge [sflag:s22], s20  }
0x9f: {  	s4 =	ssub.s32 $0x0, s20;
	[sflag:s22] =	ssyncset.done $0x0  }
0xa0: {  	[sflag:s22] =	ssyncadd.s32 s4;
	_ =	sdelay $0x1  }
0xa1: {  	s23 =	simm.s32 $0x1B8B  }
0xa2: {  	_ =	swait.ge [sflag:s23], $0x1  }
0xa3: {  	[sflag:s23] =	ssyncset.done $0x0  }
0xa4: {  	s25 =	simm.s32 $0x1B8E;
	s24 =	sld [smem:$0x3FFE];
	[sflag:s23] =	ssyncadd.s32 $0xFFFFFFFF  }
0xa5: {  	s26 =	simm.s32 $execute0_lowered;
	[smem:$0x3FD2] =	sst s25  }
0xa6: {  	s5 =	sshll.u32 s26, $0x1;
	_ =	strace $0x80000049;
	[dreg:$0x1] =	wrdreg $0xFFFFFFFF  }
0xa7: {  	s28 =	simm.s32 $_size_execute0_lowered;
	s3 =	sadd.s32 s3, s5;
	[dreg:$0x0] =	wrdreg $0x0  }
0xa8: {  	s5 =	sshll.u32 s28, $0x1;
	[dreg:$0x2] =	wrdreg s3  }
0xa9: {  	[dreg:$0x3] =	wrdreg s5  }
0xaa: {  	[dreg:$0x4] =	wrdreg $0xC0  }
0xab: {  	_ =	task [dreg:s7], $0x5FFFF  }
0xac: {  	[dreg:$0x1] =	wrdreg $0xFFFFFFFF  }
0xad: {  	[dreg:$0x0] =	wrdreg $0x60  }
0xae: {  	[dreg:$0x2] =	wrdreg s24  }
0xaf: {  	[dreg:$0x3] =	wrdreg s2  }
0xb0: {  	[dreg:$0x4] =	wrdreg $0xA1000  }
0xb1: {  	[dreg:$0x5] =	wrdreg $0x9  }
0xb2: {  	_ =	task.clear_ibuf [dreg:s7], $0x6FFFF;
	_ =	strace $0x90000049  }
0xb3: {  	s29 =	simm.s32 $0x9;
	_ =	strace $0x8000004B  }
0xb4: {  	_ =	swait.ge [sflag:s29], $0x1  }
0xb5: {  	[sflag:s29] =	ssyncadd.s32 $0xFFFFFFFF  }
0xb6: {  	_ =	strace $0x9000004B  }
0xb7: {  	_ =	sfence  }
0xb8: {  	s30 =	sld [smem:$0x0];
	_ =	sdelay $0x2  }
0xb9: {  	s31 =	sshll.u32 s1, $0xD;
	s1 =	sshrl.u32 s1, $0x2  }
0xba: {  	s3 =	sand.u32 $0x4000, s31;
	s1 =	sadd.s32 s1, s30  }
0xbb: {  	s0 =	sor.u32 s3, s0;
	s1 =	sshll.u32 s1, $0x11  }
0xbc: {  	s0 =	sor.u32 s1, s0  }
0xbd: {  	s0 =	sadd.s32 $0x8F2B, s0  }
0xbe: {  	[sflag:s0] =	ssyncadd.remote.s32 $0x1  }
0xbf: {  	_ =	sfence.sel $0xFFFF  }
0xc0: {  	[dreg:$0x0] =	wrdreg $0xFFFFFFFF;
	(pc) =	sbr.abs _section_cstart, $3  }
0xc1: {  	[dreg:$0x1] =	wrdreg $0xFFFFFFFF  }
0xc2: {  	_ =	task.clear_ibuf [dreg:s7], $0x2FFFF;
	_ =	strace $0x9FFFFFFF  }
0xc3: {  	(tm) =	ssettm $0x7FFFFFFF  }
tec
execute0_lowered:
.L_overlay_start_1:
0x0: {  	(tag) =	ssettag $0x1  }
0x1: {  	s0 =	srdreg.scid  }
0x2: {  	s21 =	stileid.u32;
	s6 =	rddreg [dreg:$0x0]  }
0x3: {  	s8 =	rddreg [dreg:$0x1];
	s4 =	simm.s32 $0x0;
	s2 =	smul.u32 $0x54, s21  }
0x4: {  	s30 =	simm.s32 $0x5;
	s31 =	simm.s32 $0x6;
	s14 =	smul.u32 $0x4E000, s21  }
0x5: {  	s0 =	sand.u32 $0x1, s0;
	s9 =	smin.u32 s21, $0x6;
	s18 =	smul.u32 $0x2700, s21  }
0x6: {  	[smem:$0x7FF] =	sst s4;
	s5 =	sadd.s32 $0x16200, s6;
	s22 =	smul.u32 $0x9D80, s21  }
0x7: {  	s12 =	sadd.s32 $0x2200, s6;
	s1 =	smul.u32 $0x546, s0;
	s11 =	ssub.s32 $0x2, s0  }
0x8: {  	p0 =	slt.u32 s21, $0x6;
	s23 =	smul.u32 $0x27100, s0;
	s13 =	sshrl.u32 s11, $0x1  }
0x9: {  	s14 =	sshrl.u32 s14, $0x2;
	s1 =	sadd.s32 s2, s1;
	s2 =	rddreg [dreg:$0x2]  }
0xa: {  	s28 =	sadd.s32 s8, s18;
	_ =	strace $0x8000004A;
	[dreg:$0x5] =	wrdreg s18  }
0xb: {  	s8 =	sadd.s32 $0x27000, s8;
	[dreg:$0x8] =	wrdreg s28;
	s3 =	sadd.s32 s9, s1  }
0xc: {  	s11 =	ssub.s32 s11, s13;
	[dreg:$0xa] =	wrdreg s8;
	s24 =	smul.u32 $0x147B, s3  }
0xd: {  	s25 =	sadd.s32 s14, s2;
	s1 =	smin.u32 s3, $0xA37;
	s16 =	smul.u32 $0xF, s3  }
0xe: {  	s29 =	sadd.s32 $0x138000, s2;
	[dreg:$0x7] =	wrdreg s25;
	s7 =	smul.u32 $0xF, s1  }
0xf: {  	[dreg:$0x9] =	wrdreg s29;
	s15 =	ssub.s32 s3, s1;
	s1 =	smul.u32 $0x1E0, s1  }
0x10: {  	s17 =	sshrl.u32 s24, $0x13;
	s15 =	smul.u32 $0x1E0, s15;
	s13 =	sadd.s32 $0x147B, s24  }
0x11: {  	s14 =	sadd.s32 s12, s16;
	s24 =	smul.u32 $0x1E0, s9;
	s10 =	sadd.s32 s7, s6  }
0x12: {  	s6 =	sadd.s32 s23, s6;
	s17 =	smul.u32 $0x27100, s17;
	s13 =	sshrl.u32 s13, $0x13  }
0x13: {  	s7 =	simm.s32 $0x55;
	[dreg:$0xb] =	wrdreg s14;
	s26 =	smul.u32 $0x27100, s13  }
0x14: {  	s7 =	simm.s32 @!p0 $0x54;
	s10 =	sadd.s32 $0xC200, s10;
	s13 =	smul.u32 $0x4F1A, s0  }
0x15: {  	s0 =	smul.u32 $0x9E340, s0;
	s19 =	sshra.s32 s15, $0x2;
	p0 =	sne.s32 s21, $0x0  }
0x16: {  	[dreg:$0x6] =	wrdreg s10;
	s20 =	sadd.s32 $0xFFFFFFFF, s7;
	s23 =	sadd.s32 s5, s17  }
0x17: {  	s17 =	smov.u32 s19;
	s25 =	sadd.s32 $0x78, s19;
	[dreg:$0xc] =	wrdreg s23  }
0x18: {  	s19 =	sadd.s32 $0x434E00, s6;
	[dreg:$0x4] =	wrdreg s20;
	s12 =	sadd.s32 s13, s12  }
0x19: {  	s20 =	smul.u32 $0x4EC, s21;
	s0 =	sadd.s32 s22, s0;
	s13 =	sadd.s32 $0xF, s14  }
0x1a: {  	[dreg:$0xe] =	wrdreg s25;
	s18 =	sadd.s32 s5, s26;
	s26 =	smul.u32 $0xF, s9  }
0x1b: {  	s23 =	simm.s32 $0x7;
	s25 =	simm.s32 $0x78;
	s0 =	sadd.s32 s24, s0  }
0x1c: {  	[dreg:$0xd] =	wrdreg s13;
	s28 =	sadd.s32 s20, s12;
	s0 =	ssub.s32 s0, s1  }
0x1d: {  	s20 =	smax.u32 s11, $0x1;
	s29 =	sadd.s32 s26, s28;
	s0 =	sadd.s32 $0x3C0, s0  }
0x1e: {  	s1 =	simm.s32 $0x0;
	s9 =	sadd.s32 $0x1E, s29;
	s6 =	sshra.s32 s0, $0x2  }
.LBB2_1:
0x1f: {  	s0 =	rddreg [dreg:$0x6];
	s8 =	stileid.u32  }
0x20: {  	[tilespmem:s4], [sflag:$0x7] =	stream.linear.gather [hbm4b:s0+s4], $0x27D8, $0x38;
	[tilespmem:$0x1D980] =	vst v63  }
0x21: {  	s0 =	sshll.u32 s8, $0x6;
	_ =	swait.ge [sflag:s23], $0x27D8  }
0x22: {  	s0 =	sor.u32 $0x1C07, s0;
	[sflag:s23] =	ssyncset.done $0x0;
	s8 =	rddreg [dreg:$0x7]  }
0x23: {  	s10 =	rddreg [dreg:$0x8];
	[sflag:s23] =	ssyncadd.s32 $0xFFFFD828;
	s24 =	sshrl.u32 s8, $0x3  }
0x24: {  	[spmem:s24], [sflag:s0] =	dma.local [hbm:s10], $0x2700  }
0x25: {  	_ =	swait.ge [sflag:s23], $0x2700  }
0x26: {  	[sflag:s23] =	ssyncset.done $0x0;
	s8 =	rddreg [dreg:$0x9]  }
0x27: {  	[sflag:s23] =	ssyncadd.s32 $0xFFFFD900;
	s26 =	sshrl.u32 @!p0 s8, $0x3;
	s8 =	rddreg [dreg:$0xa]  }
0x28: {  	[spmem:s26], [sflag:s0] =	dma.local @!p0 [hbm:s8], $0x100  }
0x29: {  	s8 =	simm.s32 @!p0 $0x7  }
0x2a: {  	_ =	swait.ge @!p0 [sflag:s8], $0x100  }
0x2b: {  	[sflag:s8] =	ssyncset.done @!p0 $0x0  }
0x2c: {  	[sflag:s8] =	ssyncadd.s32 @!p0 $0xFFFFFF00  }
0x2d: {  	s13 =	simm.s32 $0x2900;
	[bflag:$0x0] =	sbarrier.arrive $0xFFFF  }
0x2e: {  	s15 =	simm.s32 $0x2880;
	s10 =	simm.s32 $0x2800;
	s11 =	rddreg [dreg:$0xb]  }
0x2f: {  	[tilespmem:s10], [sflag:$0x1] =	stream.linear.gather [hbm4b:s11+s4], $0x78, $0x38;
	[tilespmem:$0x1D980] =	vst v63  }
0x30: {  	s21 =	simm.s32 $0x6500;
	p2 =	sle.u32 s7, $0x2;
	s12 =	rddreg [dreg:$0xc]  }
0x31: {  	[tilespmem:s13], [sflag:$0x3] =	stream.indirect.gather [hbm4b:s12+s25], $0x80, s17, s25, $0xb8;
	[tilespmem:$0x1D980] =	vst v63  }
0x32: {  	p1 =	sle.u32 s7, $0x0;
	s14 =	rddreg [dreg:$0xd];
	s10 =	sadd.s32 @!p2 $0x0, s3  }
0x33: {  	[tilespmem:s15], [sflag:$0x2] =	stream.linear.gather [hbm4b:s14+s4], $0x78, $0x38;
	[tilespmem:$0x1D980] =	vst v63  }
0x34: {  	s8 =	simm.s32 @!p1 $0x1;
	s16 =	rddreg [dreg:$0xe];
	s10 =	sadd.s32 @!p2 $0x2, s10  }
0x35: {  	[tilespmem:s21], [sflag:$0x4] =	stream.indirect.gather [hbm4b:s18+s25], $0x80, s16, s25, $0xb8;
	[tilespmem:$0x1D980] =	vst v63  }
0x36: {  	s10 =	smulhi.u32 @!p2 $0x51EB851F, s10;
	_ =	swait.ge @!p1 [sflag:s8], $0x78  }
0x37: {  	s28 =	simm.s32 $0x2;
	s29 =	sadd.s32 $0xF0, s6;
	[sflag:s8] =	ssyncset.done @!p1 $0x0  }
0x38: {  	s10 =	sshrl.u32 @!p2 s10, $0x5;
	[sflag:s8] =	ssyncadd.s32 @!p1 $0xFFFFFF88;
	s8 =	simm.s32 @!p1 $0x3  }
0x39: {  	s11 =	simm.s32 @!p1 $0x2900;
	s10 =	smul.u32 @!p2 $0x27100, s10;
	_ =	swait.ge @!p1 [sflag:s8], $0x3C00  }
0x3a: {  	s12 =	simm.s32 @!p1 $0x2800;
	s15 =	simm.s32 @!p2 $0x5;
	[sflag:s8] =	ssyncset.done @!p1 $0x0  }
0x3b: {  	s10 =	sadd.s32 @!p2 s5, s10;
	[sflag:s8] =	ssyncadd.s32 @!p1 $0xFFFFC400;
	s8 =	simm.s32 @!p1 $0x78  }
0x3c: {  	[spmem:s2] =	stream.indirect.scatter.add.f32 @!p1 [tilespmem:s11], [sflag:$0x5], $0x80, s12, s8, $0xb8;
	[tilespmem:$0x1D980] =	vst v63  }
0x3d: {  	s8 =	simm.s32 @!p2 $0x0;
	p1 =	sle.u32 s7, $0x3;
	_ =	swait.ge @!p2 [sflag:s15], $0x3C00  }
0x3e: {  	s12 =	simm.s32 @!p2 $0x2800;
	s11 =	sadd.s32 @!p1 $0x0, s3;
	[sflag:s15] =	ssyncset.done @!p2 $0x0  }
0x3f: {  	s22 =	rddreg [dreg:$0x4];
	s21 =	sadd.s32 @!p1 $0x3, s11;
	s11 =	simm.s32 @!p1 $0x2880  }
0x40: {  	[sflag:s15] =	ssyncadd.s32 @!p2 $0xFFFFC400;
	p3 =	sle.u32 s22, $0x0;
	s22 =	smov.u32 s6  }
0x41: {  	[tilespmem:s12], [sflag:$0x1] =	stream.linear.gather @!p2 [hbm4b:s9+s8], $0x78, $0x38;
	[tilespmem:$0x1D980] =	vst v63  }
0x42: {  	s8 =	simm.s32 @!p2 $0x2900;
	s12 =	simm.s32 @!p2 $0x78;
	s15 =	simm.s32 @!p3 $0x2  }
0x43: {  	[tilespmem:s8], [sflag:$0x3] =	stream.indirect.gather @!p2 [hbm4b:s10+s12], $0x80, s6, s12, $0xb8;
	[tilespmem:$0x1D980] =	vst v63  }
0x44: {  	s10 =	smulhi.u32 @!p1 $0x51EB851F, s21;
	s12 =	simm.s32 @!p1 $0x6;
	_ =	swait.ge @!p3 [sflag:s15], $0x78  }
0x45: {  	s8 =	sadd.s32 $0x1E, s9;
	s21 =	smov.u32 s9;
	[sflag:s15] =	ssyncset.done @!p3 $0x0  }
0x46: {  	s10 =	sshrl.u32 @!p1 s10, $0x5;
	[sflag:s15] =	ssyncadd.s32 @!p3 $0xFFFFFF88;
	s15 =	simm.s32 @!p3 $0x4  }
.LBB2_2:
0x47: {  	_ =	swait.ge @!p3 [sflag:s15], $0x3C00;
	s13 =	smul.u32 @!p1 $0x27100, s10;
	s10 =	smov.u32 s28  }
0x48: {  	s28 =	sadd.s32 $0x2, s28;
	s14 =	simm.s32 @!p3 $0x2880;
	s16 =	simm.s32 @!p3 $0x6500  }
0x49: {  	[sflag:s15] =	ssyncset.done @!p3 $0x0;
	p5 =	sge.u32 s10, s7;
	p2 =	sge.u32 s28, s7  }
0x4a: {  	p4 =	sne.s32 s28, $0x56;
	[sflag:s15] =	ssyncadd.s32 @!p3 $0xFFFFC400;
	s15 =	simm.s32 @!p3 $0x78  }
0x4b: {  	[spmem:s2] =	stream.indirect.scatter.add.f32 @!p3 [tilespmem:s16], [sflag:$0x6], $0x80, s14, s15, $0xb8;
	[tilespmem:$0x1D980] =	vst v63  }
0x4c: {  	s13 =	sadd.s32 @!p1 s5, s13;
	s14 =	simm.s32 @!p1 $0x6500;
	_ =	swait.ge @!p1 [sflag:s12], $0x3C00  }
0x4d: {  	s15 =	simm.s32 @!p1 $0x0;
	s16 =	simm.s32 @!p1 $0x78;
	[sflag:s12] =	ssyncset.done @!p1 $0x0  }
0x4e: {  	[sflag:s12] =	ssyncadd.s32 @!p1 $0xFFFFC400;
	s12 =	sadd.s32 @!p1 $0xF, s21;
	s21 =	smov.u32 s8  }
0x4f: {  	[tilespmem:s11], [sflag:$0x2] =	stream.linear.gather @!p1 [hbm4b:s12+s15], $0x78, $0x38;
	[tilespmem:$0x1D980] =	vst v63  }
0x50: {  	s11 =	simm.s32 @!p5 $0x1;
	s12 =	sadd.s32 @!p2 s10, s3;
	s15 =	sadd.s32 @!p1 $0x78, s22  }
0x51: {  	[tilespmem:s14], [sflag:$0x4] =	stream.indirect.gather @!p1 [hbm4b:s13+s16], $0x80, s15, s16, $0xb8;
	[tilespmem:$0x1D980] =	vst v63  }
0x52: {  	s22 =	smov.u32 s29;
	s12 =	sadd.s32 @!p2 $0x2, s12;
	_ =	swait.ge @!p5 [sflag:s11], $0x78  }
0x53: {  	s29 =	sadd.s32 $0xF0, s29;
	s12 =	smulhi.u32 @!p2 $0x51EB851F, s12;
	[sflag:s11] =	ssyncset.done @!p5 $0x0  }
0x54: {  	s13 =	simm.s32 @!p5 $0x2900;
	[sflag:s11] =	ssyncadd.s32 @!p5 $0xFFFFFF88;
	s11 =	simm.s32 @!p5 $0x3  }
0x55: {  	s14 =	simm.s32 @!p5 $0x2800;
	s15 =	simm.s32 @!p2 $0x5;
	_ =	swait.ge @!p5 [sflag:s11], $0x3C00  }
0x56: {  	s16 =	simm.s32 @!p2 $0x0;
	s12 =	sshrl.u32 @!p2 s12, $0x5;
	[sflag:s11] =	ssyncset.done @!p5 $0x0  }
0x57: {  	s12 =	smul.u32 @!p2 $0x27100, s12;
	[sflag:s11] =	ssyncadd.s32 @!p5 $0xFFFFC400;
	s11 =	simm.s32 @!p5 $0x78  }
0x58: {  	[spmem:s2] =	stream.indirect.scatter.add.f32 @!p5 [tilespmem:s13], [sflag:$0x5], $0x80, s14, s11, $0xb8;
	[tilespmem:$0x1D980] =	vst v63  }
0x59: {  	s12 =	sadd.s32 @!p2 s5, s12;
	s13 =	sadd.s32 $0x3, s10;
	_ =	swait.ge @!p2 [sflag:s15], $0x3C00  }
0x5a: {  	s14 =	simm.s32 @!p2 $0x2800;
	p1 =	sge.u32 s13, s7;
	[sflag:s15] =	ssyncset.done @!p2 $0x0  }
0x5b: {  	s13 =	simm.s32 @!p2 $0x2900;
	s11 =	rddreg [dreg:$0x4];
	[sflag:s15] =	ssyncadd.s32 @!p2 $0xFFFFC400  }
0x5c: {  	p3 =	sge.u32 s10, s11;
	s10 =	sadd.s32 @!p1 s10, s3;
	s11 =	simm.s32 @!p2 $0x78  }
0x5d: {  	[tilespmem:s14], [sflag:$0x1] =	stream.linear.gather @!p2 [hbm4b:s8+s16], $0x78, $0x38;
	[tilespmem:$0x1D980] =	vst v63  }
.Ltmp0:
0x5e: {  	s14 =	simm.s32 @!p3 $0x2;
	s10 =	sadd.s32 @!p1 $0x3, s10;
	(pc) =	sbr.rel @p4 .LBB2_2-.Ltmp0, $4  }
0x5f: {  	[tilespmem:s13], [sflag:$0x3] =	stream.indirect.gather @!p2 [hbm4b:s12+s11], $0x80, s22, s11, $0xb8;
	[tilespmem:$0x1D980] =	vst v63  }
0x60: {  	s8 =	sadd.s32 $0x1E, s8;
	s10 =	smulhi.u32 @!p1 $0x51EB851F, s10;
	_ =	swait.ge @!p3 [sflag:s14], $0x78  }
0x61: {  	s15 =	simm.s32 @!p3 $0x4;
	s11 =	simm.s32 @!p1 $0x2880;
	[sflag:s14] =	ssyncset.done @!p3 $0x0  }
0x62: {  	s12 =	simm.s32 @!p1 $0x6;
	s10 =	sshrl.u32 @!p1 s10, $0x5;
	[sflag:s14] =	ssyncadd.s32 @!p3 $0xFFFFFF88  }
0x63: {  	_ =	swait.ge @!p3 [sflag:s15], $0x3C00  }
0x64: {  	s8 =	smul.u32 @!p1 $0x27100, s10;
	s10 =	simm.s32 @!p3 $0x2880;
	[sflag:s15] =	ssyncset.done @!p3 $0x0  }
0x65: {  	s13 =	simm.s32 @!p3 $0x6500;
	s14 =	simm.s32 @!p3 $0x78;
	[sflag:s15] =	ssyncadd.s32 @!p3 $0xFFFFC400  }
0x66: {  	[spmem:s2] =	stream.indirect.scatter.add.f32 @!p3 [tilespmem:s13], [sflag:$0x6], $0x80, s10, s14, $0xb8;
	[tilespmem:$0x1D980] =	vst v63  }
0x67: {  	_ =	swait.ge @!p1 [sflag:s12], $0x3C00  }
0x68: {  	s8 =	sadd.s32 @!p1 s5, s8;
	[sflag:s12] =	ssyncset.done @!p1 $0x0  }
0x69: {  	s10 =	simm.s32 @!p1 $0x0;
	[sflag:s12] =	ssyncadd.s32 @!p1 $0xFFFFC400;
	s12 =	sadd.s32 @!p1 $0xF, s21  }
0x6a: {  	[tilespmem:s11], [sflag:$0x2] =	stream.linear.gather @!p1 [hbm4b:s12+s10], $0x78, $0x38;
	[tilespmem:$0x1D980] =	vst v63  }
0x6b: {  	s10 =	simm.s32 @!p1 $0x6500;
	s11 =	simm.s32 @!p1 $0x78;
	s12 =	sadd.s32 @!p1 $0x78, s22  }
0x6c: {  	[tilespmem:s10], [sflag:$0x4] =	stream.indirect.gather @!p1 [hbm4b:s8+s11], $0x80, s12, s11, $0xb8;
	[tilespmem:$0x1D980] =	vst v63  }
0x6d: {  	_ =	swait.ge [sflag:s30], $0x3C00  }
0x6e: {  	[sflag:s30] =	ssyncset.done $0x0  }
0x6f: {  	[sflag:s30] =	ssyncadd.s32 $0xFFFFC400  }
0x70: {  	_ =	swait.ge [sflag:s31], $0x3C00  }
0x71: {  	[sflag:s31] =	ssyncset.done $0x0  }
0x72: {  	[sflag:s31] =	ssyncadd.s32 $0xFFFFC400  }
0x73: {  	[bflag:$0x0] =	sbarrier.arrive $0xFFFF  }
0x74: {  	s29 =	rddreg [dreg:$0x5]  }
0x75: {  	s8 =	sadd.s32 s29, s19  }
0x76: {  	[hbm:s8], [sflag:s0] =	dma.local [spmem:s24], $0x2700  }
0x77: {  	_ =	swait.ge [sflag:s23], $0x2700  }
0x78: {  	s1 =	sadd.s32 $0x1, s1;
	[sflag:s23] =	ssyncset.done $0x0  }
0x79: {  	p1 =	sne.s32 s1, s20;
	s8 =	sadd.s32 @!p0 $0x27000, s19;
	[sflag:s23] =	ssyncadd.s32 $0xFFFFD900  }
0x7a: {  	[hbm:s8], [sflag:s0] =	dma.local @!p0 [spmem:s26], $0x100  }
.Ltmp1:
0x7b: {  	_ = 	snop;
	(pc) =	sbr.rel @p1 .LBB2_1-.Ltmp1, $4  }
0x7c: {  	s0 =	simm.s32 @!p0 $0x7  }
0x7d: {  	_ =	swait.ge @!p0 [sflag:s0], $0x100  }
0x7e: {  	[sflag:s0] =	ssyncset.done @!p0 $0x0  }
0x7f: {  	[sflag:s0] =	ssyncadd.s32 @!p0 $0xFFFFFF00  }
0x80: {  	_ =	sfence.sel $0x180000  }
0x81: {  	[bflag:$0x0] =	sbarrier.arrive $0xFFFF  }
0x82: {  	_ =	strace $0x9000004A  }
0x83: {  	[bflag:$0x2] =	sbarrier.arrive $0xFFFF  }
0x84: {  	s0 =	rddreg [dreg:$0x3]  }
0x85: {  	s0 =	sadd.s32 @!p0 $0x100000, s0  }
0x86: {  	[sflag:s0] =	ssyncadd.tile.s32 @!p0 $0x1;
	_ =	shalt  }
.Lfunc_end2:
_tile_overlayer_lowered:
.L_overlay_start_2:
0x87: {  	(tag) =	ssettag $0x2  }
0x88: {  	s0 =	rddreg [dreg:$0x0];
	s2 =	stileid.u32  }
0x89: {  	s1 =	rddreg [dreg:$0x1];
	p0 =	sne.s32 s2, $0x0  }
0x8a: {  	s3 =	rddreg [dreg:$0x2];
	[bflag:$0x3] =	sbarrier.arrive $0xFFFF;
	s2 =	simm.s32 @!p0 $0x1C07  }
0x8b: {  	[timem:s3], [sflag:s2] =	dma.local @!p0 [hbm:s0], s1  }
0x8c: {  	s0 =	simm.s32 @!p0 $0x7  }
0x8d: {  	_ =	swait.ge @!p0 [sflag:s0], s1  }
0x8e: {  	s1 =	ssub.s32 @!p0 $0x0, s1;
	[sflag:s0] =	ssyncset.done @!p0 $0x0  }
0x8f: {  	[sflag:s0] =	ssyncadd.s32 @!p0 s1  }
0x90: {  	[bflag:$0x3] =	sbarrier.arrive $0xFFFF  }
0x91: {  	_ =	shalt  }

// kernel: kernel.9.cloned.1.call-start
scs
__scs_entry_jumppad:
0x0: {  	(pc) =	sbr.rel $0x88, $3  }
0x1: {  	(tag) =	ssettag $0x0;
	lr =	simm.s32 $0x1  }
0x2: {  	[smem:$0x3F99] =	sst lr;
	_ =	strace $0xD0000000  }
0x3: {  	_ = 	snop  }
0x4: {  	_ = 	snop  }
0x5: {  	_ = 	snop  }
0x6: {  	_ = 	snop  }
0x7: {  	_ = 	snop  }
__scs_overlays_trampoline_lowered:
0x8: {  	[smem:$0x3FA8] =	sst s0  }
0x9: {  	[smem:$0x3FA9] =	sst s1  }
0xa: {  	[smem:$0x3FAA] =	sst s2  }
0xb: {  	[smem:$0x3FAB] =	sst s3  }
0xc: {  	[smem:$0x3FAC] =	sst s4  }
0xd: {  	[smem:$0x3FAD] =	sst s5  }
0xe: {  	[smem:$0x3FAE] =	sst s6  }
0xf: {  	[smem:$0x3FAF] =	sst s7  }
0x10: {  	[smem:$0x3FB0] =	sst s8  }
0x11: {  	[smem:$0x3FB1] =	sst s9;
	s0 =	simm.s32 @!p0 $0x0  }
0x12: {  	s1 =	sld [smem:$0x3F97];
	s0 =	simm.s32 @p0 $0x1  }
0x13: {  	[smem:$0x3FB2] =	sst s0;
	s0 =	simm.s32 @!p1 $0x0  }
0x14: {  	s2 =	sld [smem:$0x3F96];
	s0 =	simm.s32 @p1 $0x1  }
0x15: {  	[smem:$0x3FB3] =	sst s0;
	s0 =	simm.s32 @!p2 $0x0  }
0x16: {  	s3 =	sld [smem:$0x3FDB];
	s0 =	simm.s32 @p2 $0x1  }
0x17: {  	s4 =	simm.s32 $0x1BF5;
	[smem:$0x3FB5] =	sst s0  }
0x18: {  	s0 =	sld [smem:$0x3F98];
	_ =	swait.ge [sflag:s4], $0x0  }
0x19: {  	s7 =	sld [smem:$0x3F99]  }
0x1a: {  	s8 =	sadd.s32 $0xFFFFE003, lr  }
0x1b: {  	s9 =	sadd.s32 $0xFFFFFEF7, lr;
	s5 =	simm.s32 $0xFFFFFFFF;
	p2 =	slt.u32 s8, $0xFFFFF086  }
0x1c: {  	p1 =	slt.u32 s9, $0xF7A;
	s5 =	simm.s32 @!p2 $0x0  }
0x1d: {  	s5 =	simm.s32 @p1 $0x1;
	p0 =	seq.s32 s7, s2  }
0x1e: {  	s7 =	smul.u32 @!p0 $0xF7A, s2;
	p2 =	seq.s32 @!p0 s5, $0x0  }
0x1f: {  	s9 =	smul.u32 $0xF7A, s1;
	s8 =	simm.s32 @!p0 $0x1BF5;
	p2 =	por !p2, p0  }
0x20: {  	[sflag:s8] =	ssyncset.s32 @!p0 $0xFFFFF086;
	s6 =	sadd.s32 @!p0 s3, s7;
	s7 =	simm.s32 @!p0 $0x108  }
0x21: {  	s3 =	sadd.s32 s3, s9;
	s6 =	sadd.s32 @!p0 $0x88, s6;
	s7 =	simm.s32 @p2 $0x1082  }
0x22: {  	[simem:s7], [sflag:s8] =	dma.local @!p0 [hbm:s6], $0xF7A  }
0x23: {  	s9 =	sor.u32 $0xD0000000, s2;
	s6 =	simm.s32 $0x108;
	_ =	swait.ge @!p0 [sflag:s8], $0x0  }
0x24: {  	s3 =	sadd.s32 $0x88, s3;
	s6 =	simm.s32 @!p1 $0x1082;
	[sflag:s4] =	ssyncset.s32 $0xFFFFF086  }
0x25: {  	[simem:s6], [sflag:s4] =	dma.local [hbm:s3], $0xF7A  }
0x26: {  	[smem:$0x3F99] =	sst s1;
	(tag) =	ssettag s2;
	_ =	strace s9  }
0x27: {  	s1 =	sld [smem:$0x3FA9]  }
0x28: {  	s2 =	sld [smem:$0x3FAA]  }
0x29: {  	s4 =	sld [smem:$0x3FAC]  }
0x2a: {  	p0 =	seq.s32 s5, $0x0;
	s5 =	sld [smem:$0x3FAD]  }
0x2b: {  	s6 =	sld [smem:$0x3FAE]  }
0x2c: {  	s7 =	sld [smem:$0x3FAF]  }
0x2d: {  	s3 =	simm.s32 $0x108;
	s8 =	sld [smem:$0x3FB0]  }
0x2e: {  	s3 =	simm.s32 @!p0 $0x1082;
	s9 =	sld [smem:$0x3FB1]  }
0x2f: {  	lr =	sadd.s32 s0, s3;
	s0 =	sld [smem:$0x3FA8]  }
0x30: {  	s3 =	sld [smem:$0x3FAB]  }
0x31: {  	[smem:$0x3FB4] =	sst s10  }
0x32: {  	s10 =	sld [smem:$0x3FB2];
	_ =	sdelay $0x3  }
0x33: {  	p0 =	seq.s32 s10, $0x1;
	s10 =	sld [smem:$0x3FB4];
	_ =	sdelay $0x3  }
0x34: {  	[smem:$0x3FB4] =	sst s10  }
0x35: {  	s10 =	sld [smem:$0x3FB3];
	_ =	sdelay $0x3  }
0x36: {  	p1 =	seq.s32 s10, $0x1;
	s10 =	sld [smem:$0x3FB4];
	_ =	sdelay $0x3  }
0x37: {  	[smem:$0x3FB4] =	sst s10  }
0x38: {  	s10 =	sld [smem:$0x3FB5]  }
0x39: {  	_ = 	snop;
	(pc) =	sbr.ind lr, $3  }
0x3a: {  	_ = 	snop  }
0x3b: {  	_ = 	snop  }
0x3c: {  	p2 =	seq.s32 s10, $0x1;
	s10 =	sld [smem:$0x3FB4]  }
0x3d: {  	_ =	shalt  }
0x3e: {  	_ =	shalt  }
0x3f: {  	_ =	shalt  }
0x40: {  	_ =	shalt  }
0x41: {  	_ =	shalt  }
0x42: {  	_ =	shalt  }
0x43: {  	_ =	shalt  }
0x44: {  	_ =	shalt  }
0x45: {  	_ =	shalt  }
0x46: {  	_ =	shalt  }
0x47: {  	_ =	shalt  }
0x48: {  	_ =	shalt  }
0x49: {  	_ =	shalt  }
0x4a: {  	_ =	shalt  }
0x4b: {  	_ =	shalt  }
0x4c: {  	_ =	shalt  }
0x4d: {  	_ =	shalt  }
0x4e: {  	_ =	shalt  }
0x4f: {  	_ =	shalt  }
0x50: {  	_ =	shalt  }
0x51: {  	_ =	shalt  }
0x52: {  	_ =	shalt  }
0x53: {  	_ =	shalt  }
0x54: {  	_ =	shalt  }
0x55: {  	_ =	shalt  }
0x56: {  	_ =	shalt  }
0x57: {  	_ =	shalt  }
0x58: {  	_ =	shalt  }
0x59: {  	_ =	shalt  }
0x5a: {  	_ =	shalt  }
0x5b: {  	_ =	shalt  }
0x5c: {  	_ =	shalt  }
0x5d: {  	_ =	shalt  }
0x5e: {  	_ =	shalt  }
0x5f: {  	_ =	shalt  }
0x60: {  	_ =	shalt  }
0x61: {  	_ =	shalt  }
0x62: {  	_ =	shalt  }
0x63: {  	_ =	shalt  }
0x64: {  	_ =	shalt  }
0x65: {  	_ =	shalt  }
0x66: {  	_ =	shalt  }
0x67: {  	_ =	shalt  }
0x68: {  	_ =	shalt  }
0x69: {  	_ =	shalt  }
0x6a: {  	_ =	shalt  }
0x6b: {  	_ =	shalt  }
0x6c: {  	_ =	shalt  }
0x6d: {  	_ =	shalt  }
0x6e: {  	_ =	shalt  }
0x6f: {  	_ =	shalt  }
0x70: {  	_ =	shalt  }
0x71: {  	_ =	shalt  }
0x72: {  	_ =	shalt  }
0x73: {  	_ =	shalt  }
0x74: {  	_ =	shalt  }
0x75: {  	_ =	shalt  }
0x76: {  	_ =	shalt  }
0x77: {  	_ =	shalt  }
0x78: {  	_ =	shalt  }
0x79: {  	_ =	shalt  }
0x7a: {  	_ =	shalt  }
0x7b: {  	_ =	shalt  }
0x7c: {  	_ =	shalt  }
0x7d: {  	_ =	shalt  }
0x7e: {  	_ =	shalt  }
0x7f: {  	_ =	shalt  }
0x80: {  	_ =	shalt  }
0x81: {  	_ =	shalt  }
0x82: {  	_ =	shalt  }
0x83: {  	_ =	shalt  }
0x84: {  	_ =	shalt  }
0x85: {  	_ =	shalt  }
0x86: {  	_ =	shalt  }
0x87: {  	_ =	shalt  }
.Lfunc_end0:
.L_simem_size_0:
called_computation_lowered:
.L_overlay_start_0:
0x88: {  	s2 =	sld [smem:$0x3FD9]  }
0x89: {  	s3 =	sld [smem:$0x3FFE];
	_ =	sdelay $0x1  }
0x8a: {  	s1 =	srdreg.scid  }
0x8b: {  	s0 =	sand.u32 $0x1, s1  }
0x8c: {  	s17 =	sshll.u32 s0, $0xA;
	s2 =	sadd.s32 s3, s2  }
0x8d: {  	s2 =	sadd.s32 s2, s17  }
0x8e: {  	[smem:$0x3FC0] =	sst s2  }
0x8f: {  	_ = 	snop  }
0x90: {  	s2 =	sld [smem:$0x3FD0];
	(tm) =	ssettm $0x1  }
0x91: {  	s18 =	sld [smem:$0x3FFB];
	_ =	sdelay $0x3  }
0x92: {  	_ =	strace s18  }
0x93: {  	s3 =	sld [smem:$0x3FFC];
	_ =	sdelay $0x3  }
0x94: {  	_ =	strace s3  }
0x95: {  	s3 =	sld [smem:$0x3FFD];
	_ =	sdelay $0x3  }
0x96: {  	_ =	strace s3  }
0x97: {  	_ =	strace $0x8FFFFFFF  }
0x98: {  	s19 =	sld [smem:$0x3FDB];
	_ =	sdelay $0x1  }
0x99: {  	s4 =	simm.s32 $_scs_section_size  }
0x9a: {  	s5 =	simm.s32 $_size__tile_overlayer_lowered;
	s6 =	simm.s32 $_tile_overlayer_lowered  }
0x9b: {  	s22 =	simm.s32 $0x1BFF;
	s21 =	sshll.u32 s6, $0x1;
	s3 =	sadd.s32 s4, s19  }
0x9c: {  	s7 =	simm.s32 $0x0;
	s20 =	sshll.u32 s5, $0x1;
	s5 =	sadd.s32 s21, s3  }
0x9d: {  	[timem:s7], [sflag:s22] =	dma.local [hbm:s5], s20  }
0x9e: {  	_ =	swait.ge [sflag:s22], s20  }
0x9f: {  	s4 =	ssub.s32 $0x0, s20;
	[sflag:s22] =	ssyncset.done $0x0  }
0xa0: {  	[sflag:s22] =	ssyncadd.s32 s4;
	_ =	sdelay $0x1  }
0xa1: {  	s23 =	simm.s32 $0x1B8B  }
0xa2: {  	_ =	swait.ge [sflag:s23], $0x1  }
0xa3: {  	[sflag:s23] =	ssyncset.done $0x0  }
0xa4: {  	s25 =	simm.s32 $0x1B8E;
	s24 =	sld [smem:$0x3FFE];
	[sflag:s23] =	ssyncadd.s32 $0xFFFFFFFF  }
0xa5: {  	s26 =	simm.s32 $execute0_lowered;
	[smem:$0x3FD2] =	sst s25  }
0xa6: {  	s5 =	sshll.u32 s26, $0x1;
	_ =	strace $0x80000046;
	[dreg:$0x1] =	wrdreg $0xFFFFFFFF  }
0xa7: {  	s28 =	simm.s32 $_size_execute0_lowered;
	s3 =	sadd.s32 s3, s5;
	[dreg:$0x0] =	wrdreg $0x0  }
0xa8: {  	s5 =	sshll.u32 s28, $0x1;
	[dreg:$0x2] =	wrdreg s3  }
0xa9: {  	[dreg:$0x3] =	wrdreg s5  }
0xaa: {  	[dreg:$0x4] =	wrdreg $0xC0  }
0xab: {  	_ =	task [dreg:s7], $0x5FFFF  }
0xac: {  	[dreg:$0x1] =	wrdreg $0xFFFFFFFF  }
0xad: {  	[dreg:$0x0] =	wrdreg $0x60  }
0xae: {  	[dreg:$0x2] =	wrdreg s24  }
0xaf: {  	[dreg:$0x3] =	wrdreg s2  }
0xb0: {  	[dreg:$0x4] =	wrdreg $0xA1000  }
0xb1: {  	[dreg:$0x5] =	wrdreg $0x9  }
0xb2: {  	_ =	task.clear_ibuf [dreg:s7], $0x6FFFF;
	_ =	strace $0x90000046  }
0xb3: {  	s29 =	simm.s32 $0x9;
	_ =	strace $0x80000048  }
0xb4: {  	_ =	swait.ge [sflag:s29], $0x1  }
0xb5: {  	[sflag:s29] =	ssyncadd.s32 $0xFFFFFFFF  }
0xb6: {  	_ =	strace $0x90000048  }
0xb7: {  	_ =	sfence  }
0xb8: {  	s30 =	sld [smem:$0x0];
	_ =	sdelay $0x2  }
0xb9: {  	s31 =	sshll.u32 s1, $0xD;
	s1 =	sshrl.u32 s1, $0x2  }
0xba: {  	s3 =	sand.u32 $0x4000, s31;
	s1 =	sadd.s32 s1, s30  }
0xbb: {  	s0 =	sor.u32 s3, s0;
	s1 =	sshll.u32 s1, $0x11  }
0xbc: {  	s0 =	sor.u32 s1, s0  }
0xbd: {  	s0 =	sadd.s32 $0x8F2B, s0  }
0xbe: {  	[sflag:s0] =	ssyncadd.remote.s32 $0x1  }
0xbf: {  	_ =	sfence.sel $0xFFFF  }
0xc0: {  	[dreg:$0x0] =	wrdreg $0xFFFFFFFF;
	(pc) =	sbr.abs _section_cstart, $3  }
0xc1: {  	[dreg:$0x1] =	wrdreg $0xFFFFFFFF  }
0xc2: {  	_ =	task.clear_ibuf [dreg:s7], $0x2FFFF;
	_ =	strace $0x9FFFFFFF  }
0xc3: {  	(tm) =	ssettm $0x7FFFFFFF  }
tec
execute0_lowered:
.L_overlay_start_1:
0x0: {  	(tag) =	ssettag $0x1  }
0x1: {  	s0 =	srdreg.scid  }
0x2: {  	s21 =	stileid.u32;
	s6 =	rddreg [dreg:$0x0]  }
0x3: {  	s8 =	rddreg [dreg:$0x1];
	s4 =	simm.s32 $0x0;
	s2 =	smul.u32 $0x54, s21  }
0x4: {  	s30 =	simm.s32 $0x5;
	s31 =	simm.s32 $0x6;
	s14 =	smul.u32 $0x4E000, s21  }
0x5: {  	s0 =	sand.u32 $0x1, s0;
	s9 =	smin.u32 s21, $0x6;
	s18 =	smul.u32 $0x2700, s21  }
0x6: {  	[smem:$0x7FF] =	sst s4;
	s5 =	sadd.s32 $0x16200, s6;
	s22 =	smul.u32 $0x9D80, s21  }
0x7: {  	s12 =	sadd.s32 $0x2200, s6;
	s1 =	smul.u32 $0x546, s0;
	s11 =	ssub.s32 $0x2, s0  }
0x8: {  	p0 =	slt.u32 s21, $0x6;
	s23 =	smul.u32 $0x27100, s0;
	s13 =	sshrl.u32 s11, $0x1  }
0x9: {  	s14 =	sshrl.u32 s14, $0x2;
	s1 =	sadd.s32 s2, s1;
	s2 =	rddreg [dreg:$0x2]  }
0xa: {  	s28 =	sadd.s32 s8, s18;
	_ =	strace $0x80000047;
	[dreg:$0x5] =	wrdreg s18  }
0xb: {  	s8 =	sadd.s32 $0x27000, s8;
	[dreg:$0x8] =	wrdreg s28;
	s3 =	sadd.s32 s9, s1  }
0xc: {  	s11 =	ssub.s32 s11, s13;
	[dreg:$0xa] =	wrdreg s8;
	s24 =	smul.u32 $0x147B, s3  }
0xd: {  	s25 =	sadd.s32 s14, s2;
	s1 =	smin.u32 s3, $0xA37;
	s16 =	smul.u32 $0xF, s3  }
0xe: {  	s29 =	sadd.s32 $0x138000, s2;
	[dreg:$0x7] =	wrdreg s25;
	s7 =	smul.u32 $0xF, s1  }
0xf: {  	[dreg:$0x9] =	wrdreg s29;
	s15 =	ssub.s32 s3, s1;
	s1 =	smul.u32 $0x1E0, s1  }
0x10: {  	s17 =	sshrl.u32 s24, $0x13;
	s15 =	smul.u32 $0x1E0, s15;
	s13 =	sadd.s32 $0x147B, s24  }
0x11: {  	s14 =	sadd.s32 s12, s16;
	s24 =	smul.u32 $0x1E0, s9;
	s10 =	sadd.s32 s7, s6  }
0x12: {  	s6 =	sadd.s32 s23, s6;
	s17 =	smul.u32 $0x27100, s17;
	s13 =	sshrl.u32 s13, $0x13  }
0x13: {  	s7 =	simm.s32 $0x55;
	[dreg:$0xb] =	wrdreg s14;
	s26 =	smul.u32 $0x27100, s13  }
0x14: {  	s7 =	simm.s32 @!p0 $0x54;
	s10 =	sadd.s32 $0xC200, s10;
	s13 =	smul.u32 $0x4F1A, s0  }
0x15: {  	s0 =	smul.u32 $0x9E340, s0;
	s19 =	sshra.s32 s15, $0x2;
	p0 =	sne.s32 s21, $0x0  }
0x16: {  	[dreg:$0x6] =	wrdreg s10;
	s20 =	sadd.s32 $0xFFFFFFFF, s7;
	s23 =	sadd.s32 s5, s17  }
0x17: {  	s17 =	smov.u32 s19;
	s25 =	sadd.s32 $0x78, s19;
	[dreg:$0xc] =	wrdreg s23  }
0x18: {  	s19 =	sadd.s32 $0x434E00, s6;
	[dreg:$0x4] =	wrdreg s20;
	s12 =	sadd.s32 s13, s12  }
0x19: {  	s20 =	smul.u32 $0x4EC, s21;
	s0 =	sadd.s32 s22, s0;
	s13 =	sadd.s32 $0xF, s14  }
0x1a: {  	[dreg:$0xe] =	wrdreg s25;
	s18 =	sadd.s32 s5, s26;
	s26 =	smul.u32 $0xF, s9  }
0x1b: {  	s23 =	simm.s32 $0x7;
	s25 =	simm.s32 $0x78;
	s0 =	sadd.s32 s24, s0  }
0x1c: {  	[dreg:$0xd] =	wrdreg s13;
	s28 =	sadd.s32 s20, s12;
	s0 =	ssub.s32 s0, s1  }
0x1d: {  	s20 =	smax.u32 s11, $0x1;
	s29 =	sadd.s32 s26, s28;
	s0 =	sadd.s32 $0x3C0, s0  }
0x1e: {  	s1 =	simm.s32 $0x0;
	s9 =	sadd.s32 $0x1E, s29;
	s6 =	sshra.s32 s0, $0x2  }
.LBB2_1:
0x1f: {  	s0 =	rddreg [dreg:$0x6];
	s8 =	stileid.u32  }
0x20: {  	[tilespmem:s4], [sflag:$0x7] =	stream.linear.gather [hbm4b:s0+s4], $0x27D8, $0x38;
	[tilespmem:$0x1D980] =	vst v63  }
0x21: {  	s0 =	sshll.u32 s8, $0x6;
	_ =	swait.ge [sflag:s23], $0x27D8  }
0x22: {  	s0 =	sor.u32 $0x1C07, s0;
	[sflag:s23] =	ssyncset.done $0x0;
	s8 =	rddreg [dreg:$0x7]  }
0x23: {  	s10 =	rddreg [dreg:$0x8];
	[sflag:s23] =	ssyncadd.s32 $0xFFFFD828;
	s24 =	sshrl.u32 s8, $0x3  }
0x24: {  	[spmem:s24], [sflag:s0] =	dma.local [hbm:s10], $0x2700  }
0x25: {  	_ =	swait.ge [sflag:s23], $0x2700  }
0x26: {  	[sflag:s23] =	ssyncset.done $0x0;
	s8 =	rddreg [dreg:$0x9]  }
0x27: {  	[sflag:s23] =	ssyncadd.s32 $0xFFFFD900;
	s26 =	sshrl.u32 @!p0 s8, $0x3;
	s8 =	rddreg [dreg:$0xa]  }
0x28: {  	[spmem:s26], [sflag:s0] =	dma.local @!p0 [hbm:s8], $0x100  }
0x29: {  	s8 =	simm.s32 @!p0 $0x7  }
0x2a: {  	_ =	swait.ge @!p0 [sflag:s8], $0x100  }
0x2b: {  	[sflag:s8] =	ssyncset.done @!p0 $0x0  }
0x2c: {  	[sflag:s8] =	ssyncadd.s32 @!p0 $0xFFFFFF00  }
0x2d: {  	s13 =	simm.s32 $0x2900;
	[bflag:$0x0] =	sbarrier.arrive $0xFFFF  }
0x2e: {  	s15 =	simm.s32 $0x2880;
	s10 =	simm.s32 $0x2800;
	s11 =	rddreg [dreg:$0xb]  }
0x2f: {  	[tilespmem:s10], [sflag:$0x1] =	stream.linear.gather [hbm4b:s11+s4], $0x78, $0x38;
	[tilespmem:$0x1D980] =	vst v63  }
0x30: {  	s21 =	simm.s32 $0x6500;
	p2 =	sle.u32 s7, $0x2;
	s12 =	rddreg [dreg:$0xc]  }
0x31: {  	[tilespmem:s13], [sflag:$0x3] =	stream.indirect.gather [hbm4b:s12+s25], $0x80, s17, s25, $0xb8;
	[tilespmem:$0x1D980] =	vst v63  }
0x32: {  	p1 =	sle.u32 s7, $0x0;
	s14 =	rddreg [dreg:$0xd];
	s10 =	sadd.s32 @!p2 $0x0, s3  }
0x33: {  	[tilespmem:s15], [sflag:$0x2] =	stream.linear.gather [hbm4b:s14+s4], $0x78, $0x38;
	[tilespmem:$0x1D980] =	vst v63  }
0x34: {  	s8 =	simm.s32 @!p1 $0x1;
	s16 =	rddreg [dreg:$0xe];
	s10 =	sadd.s32 @!p2 $0x2, s10  }
0x35: {  	[tilespmem:s21], [sflag:$0x4] =	stream.indirect.gather [hbm4b:s18+s25], $0x80, s16, s25, $0xb8;
	[tilespmem:$0x1D980] =	vst v63  }
0x36: {  	s10 =	smulhi.u32 @!p2 $0x51EB851F, s10;
	_ =	swait.ge @!p1 [sflag:s8], $0x78  }
0x37: {  	s28 =	simm.s32 $0x2;
	s29 =	sadd.s32 $0xF0, s6;
	[sflag:s8] =	ssyncset.done @!p1 $0x0  }
0x38: {  	s10 =	sshrl.u32 @!p2 s10, $0x5;
	[sflag:s8] =	ssyncadd.s32 @!p1 $0xFFFFFF88;
	s8 =	simm.s32 @!p1 $0x3  }
0x39: {  	s11 =	simm.s32 @!p1 $0x2900;
	s10 =	smul.u32 @!p2 $0x27100, s10;
	_ =	swait.ge @!p1 [sflag:s8], $0x3C00  }
0x3a: {  	s12 =	simm.s32 @!p1 $0x2800;
	s15 =	simm.s32 @!p2 $0x5;
	[sflag:s8] =	ssyncset.done @!p1 $0x0  }
0x3b: {  	s10 =	sadd.s32 @!p2 s5, s10;
	[sflag:s8] =	ssyncadd.s32 @!p1 $0xFFFFC400;
	s8 =	simm.s32 @!p1 $0x78  }
0x3c: {  	[spmem:s2] =	stream.indirect.scatter.add.f32 @!p1 [tilespmem:s11], [sflag:$0x5], $0x80, s12, s8, $0xb8;
	[tilespmem:$0x1D980] =	vst v63  }
0x3d: {  	s8 =	simm.s32 @!p2 $0x0;
	p1 =	sle.u32 s7, $0x3;
	_ =	swait.ge @!p2 [sflag:s15], $0x3C00  }
0x3e: {  	s12 =	simm.s32 @!p2 $0x2800;
	s11 =	sadd.s32 @!p1 $0x0, s3;
	[sflag:s15] =	ssyncset.done @!p2 $0x0  }
0x3f: {  	s22 =	rddreg [dreg:$0x4];
	s21 =	sadd.s32 @!p1 $0x3, s11;
	s11 =	simm.s32 @!p1 $0x2880  }
0x40: {  	[sflag:s15] =	ssyncadd.s32 @!p2 $0xFFFFC400;
	p3 =	sle.u32 s22, $0x0;
	s22 =	smov.u32 s6  }
0x41: {  	[tilespmem:s12], [sflag:$0x1] =	stream.linear.gather @!p2 [hbm4b:s9+s8], $0x78, $0x38;
	[tilespmem:$0x1D980] =	vst v63  }
0x42: {  	s8 =	simm.s32 @!p2 $0x2900;
	s12 =	simm.s32 @!p2 $0x78;
	s15 =	simm.s32 @!p3 $0x2  }
0x43: {  	[tilespmem:s8], [sflag:$0x3] =	stream.indirect.gather @!p2 [hbm4b:s10+s12], $0x80, s6, s12, $0xb8;
	[tilespmem:$0x1D980] =	vst v63  }
0x44: {  	s10 =	smulhi.u32 @!p1 $0x51EB851F, s21;
	s12 =	simm.s32 @!p1 $0x6;
	_ =	swait.ge @!p3 [sflag:s15], $0x78  }
0x45: {  	s8 =	sadd.s32 $0x1E, s9;
	s21 =	smov.u32 s9;
	[sflag:s15] =	ssyncset.done @!p3 $0x0  }
0x46: {  	s10 =	sshrl.u32 @!p1 s10, $0x5;
	[sflag:s15] =	ssyncadd.s32 @!p3 $0xFFFFFF88;
	s15 =	simm.s32 @!p3 $0x4  }
.LBB2_2:
0x47: {  	_ =	swait.ge @!p3 [sflag:s15], $0x3C00;
	s13 =	smul.u32 @!p1 $0x27100, s10;
	s10 =	smov.u32 s28  }
0x48: {  	s28 =	sadd.s32 $0x2, s28;
	s14 =	simm.s32 @!p3 $0x2880;
	s16 =	simm.s32 @!p3 $0x6500  }
0x49: {  	[sflag:s15] =	ssyncset.done @!p3 $0x0;
	p5 =	sge.u32 s10, s7;
	p2 =	sge.u32 s28, s7  }
0x4a: {  	p4 =	sne.s32 s28, $0x56;
	[sflag:s15] =	ssyncadd.s32 @!p3 $0xFFFFC400;
	s15 =	simm.s32 @!p3 $0x78  }
0x4b: {  	[spmem:s2] =	stream.indirect.scatter.add.f32 @!p3 [tilespmem:s16], [sflag:$0x6], $0x80, s14, s15, $0xb8;
	[tilespmem:$0x1D980] =	vst v63  }
0x4c: {  	s13 =	sadd.s32 @!p1 s5, s13;
	s14 =	simm.s32 @!p1 $0x6500;
	_ =	swait.ge @!p1 [sflag:s12], $0x3C00  }
0x4d: {  	s15 =	simm.s32 @!p1 $0x0;
	s16 =	simm.s32 @!p1 $0x78;
	[sflag:s12] =	ssyncset.done @!p1 $0x0  }
0x4e: {  	[sflag:s12] =	ssyncadd.s32 @!p1 $0xFFFFC400;
	s12 =	sadd.s32 @!p1 $0xF, s21;
	s21 =	smov.u32 s8  }
0x4f: {  	[tilespmem:s11], [sflag:$0x2] =	stream.linear.gather @!p1 [hbm4b:s12+s15], $0x78, $0x38;
	[tilespmem:$0x1D980] =	vst v63  }
0x50: {  	s11 =	simm.s32 @!p5 $0x1;
	s12 =	sadd.s32 @!p2 s10, s3;
	s15 =	sadd.s32 @!p1 $0x78, s22  }
0x51: {  	[tilespmem:s14], [sflag:$0x4] =	stream.indirect.gather @!p1 [hbm4b:s13+s16], $0x80, s15, s16, $0xb8;
	[tilespmem:$0x1D980] =	vst v63  }
0x52: {  	s22 =	smov.u32 s29;
	s12 =	sadd.s32 @!p2 $0x2, s12;
	_ =	swait.ge @!p5 [sflag:s11], $0x78  }
0x53: {  	s29 =	sadd.s32 $0xF0, s29;
	s12 =	smulhi.u32 @!p2 $0x51EB851F, s12;
	[sflag:s11] =	ssyncset.done @!p5 $0x0  }
0x54: {  	s13 =	simm.s32 @!p5 $0x2900;
	[sflag:s11] =	ssyncadd.s32 @!p5 $0xFFFFFF88;
	s11 =	simm.s32 @!p5 $0x3  }
0x55: {  	s14 =	simm.s32 @!p5 $0x2800;
	s15 =	simm.s32 @!p2 $0x5;
	_ =	swait.ge @!p5 [sflag:s11], $0x3C00  }
0x56: {  	s16 =	simm.s32 @!p2 $0x0;
	s12 =	sshrl.u32 @!p2 s12, $0x5;
	[sflag:s11] =	ssyncset.done @!p5 $0x0  }
0x57: {  	s12 =	smul.u32 @!p2 $0x27100, s12;
	[sflag:s11] =	ssyncadd.s32 @!p5 $0xFFFFC400;
	s11 =	simm.s32 @!p5 $0x78  }
0x58: {  	[spmem:s2] =	stream.indirect.scatter.add.f32 @!p5 [tilespmem:s13], [sflag:$0x5], $0x80, s14, s11, $0xb8;
	[tilespmem:$0x1D980] =	vst v63  }
0x59: {  	s12 =	sadd.s32 @!p2 s5, s12;
	s13 =	sadd.s32 $0x3, s10;
	_ =	swait.ge @!p2 [sflag:s15], $0x3C00  }
0x5a: {  	s14 =	simm.s32 @!p2 $0x2800;
	p1 =	sge.u32 s13, s7;
	[sflag:s15] =	ssyncset.done @!p2 $0x0  }
0x5b: {  	s13 =	simm.s32 @!p2 $0x2900;
	s11 =	rddreg [dreg:$0x4];
	[sflag:s15] =	ssyncadd.s32 @!p2 $0xFFFFC400  }
0x5c: {  	p3 =	sge.u32 s10, s11;
	s10 =	sadd.s32 @!p1 s10, s3;
	s11 =	simm.s32 @!p2 $0x78  }
0x5d: {  	[tilespmem:s14], [sflag:$0x1] =	stream.linear.gather @!p2 [hbm4b:s8+s16], $0x78, $0x38;
	[tilespmem:$0x1D980] =	vst v63  }
.Ltmp0:
0x5e: {  	s14 =	simm.s32 @!p3 $0x2;
	s10 =	sadd.s32 @!p1 $0x3, s10;
	(pc) =	sbr.rel @p4 .LBB2_2-.Ltmp0, $4  }
0x5f: {  	[tilespmem:s13], [sflag:$0x3] =	stream.indirect.gather @!p2 [hbm4b:s12+s11], $0x80, s22, s11, $0xb8;
	[tilespmem:$0x1D980] =	vst v63  }
0x60: {  	s8 =	sadd.s32 $0x1E, s8;
	s10 =	smulhi.u32 @!p1 $0x51EB851F, s10;
	_ =	swait.ge @!p3 [sflag:s14], $0x78  }
0x61: {  	s15 =	simm.s32 @!p3 $0x4;
	s11 =	simm.s32 @!p1 $0x2880;
	[sflag:s14] =	ssyncset.done @!p3 $0x0  }
0x62: {  	s12 =	simm.s32 @!p1 $0x6;
	s10 =	sshrl.u32 @!p1 s10, $0x5;
	[sflag:s14] =	ssyncadd.s32 @!p3 $0xFFFFFF88  }
0x63: {  	_ =	swait.ge @!p3 [sflag:s15], $0x3C00  }
0x64: {  	s8 =	smul.u32 @!p1 $0x27100, s10;
	s10 =	simm.s32 @!p3 $0x2880;
	[sflag:s15] =	ssyncset.done @!p3 $0x0  }
0x65: {  	s13 =	simm.s32 @!p3 $0x6500;
	s14 =	simm.s32 @!p3 $0x78;
	[sflag:s15] =	ssyncadd.s32 @!p3 $0xFFFFC400  }
0x66: {  	[spmem:s2] =	stream.indirect.scatter.add.f32 @!p3 [tilespmem:s13], [sflag:$0x6], $0x80, s10, s14, $0xb8;
	[tilespmem:$0x1D980] =	vst v63  }
0x67: {  	_ =	swait.ge @!p1 [sflag:s12], $0x3C00  }
0x68: {  	s8 =	sadd.s32 @!p1 s5, s8;
	[sflag:s12] =	ssyncset.done @!p1 $0x0  }
0x69: {  	s10 =	simm.s32 @!p1 $0x0;
	[sflag:s12] =	ssyncadd.s32 @!p1 $0xFFFFC400;
	s12 =	sadd.s32 @!p1 $0xF, s21  }
0x6a: {  	[tilespmem:s11], [sflag:$0x2] =	stream.linear.gather @!p1 [hbm4b:s12+s10], $0x78, $0x38;
	[tilespmem:$0x1D980] =	vst v63  }
0x6b: {  	s10 =	simm.s32 @!p1 $0x6500;
	s11 =	simm.s32 @!p1 $0x78;
	s12 =	sadd.s32 @!p1 $0x78, s22  }
0x6c: {  	[tilespmem:s10], [sflag:$0x4] =	stream.indirect.gather @!p1 [hbm4b:s8+s11], $0x80, s12, s11, $0xb8;
	[tilespmem:$0x1D980] =	vst v63  }
0x6d: {  	_ =	swait.ge [sflag:s30], $0x3C00  }
0x6e: {  	[sflag:s30] =	ssyncset.done $0x0  }
0x6f: {  	[sflag:s30] =	ssyncadd.s32 $0xFFFFC400  }
0x70: {  	_ =	swait.ge [sflag:s31], $0x3C00  }
0x71: {  	[sflag:s31] =	ssyncset.done $0x0  }
0x72: {  	[sflag:s31] =	ssyncadd.s32 $0xFFFFC400  }
0x73: {  	[bflag:$0x0] =	sbarrier.arrive $0xFFFF  }
0x74: {  	s29 =	rddreg [dreg:$0x5]  }
0x75: {  	s8 =	sadd.s32 s29, s19  }
0x76: {  	[hbm:s8], [sflag:s0] =	dma.local [spmem:s24], $0x2700  }
0x77: {  	_ =	swait.ge [sflag:s23], $0x2700  }
0x78: {  	s1 =	sadd.s32 $0x1, s1;
	[sflag:s23] =	ssyncset.done $0x0  }
0x79: {  	p1 =	sne.s32 s1, s20;
	s8 =	sadd.s32 @!p0 $0x27000, s19;
	[sflag:s23] =	ssyncadd.s32 $0xFFFFD900  }
0x7a: {  	[hbm:s8], [sflag:s0] =	dma.local @!p0 [spmem:s26], $0x100  }
.Ltmp1:
0x7b: {  	_ = 	snop;
	(pc) =	sbr.rel @p1 .LBB2_1-.Ltmp1, $4  }
0x7c: {  	s0 =	simm.s32 @!p0 $0x7  }
0x7d: {  	_ =	swait.ge @!p0 [sflag:s0], $0x100  }
0x7e: {  	[sflag:s0] =	ssyncset.done @!p0 $0x0  }
0x7f: {  	[sflag:s0] =	ssyncadd.s32 @!p0 $0xFFFFFF00  }
0x80: {  	_ =	sfence.sel $0x180000  }
0x81: {  	[bflag:$0x0] =	sbarrier.arrive $0xFFFF  }
0x82: {  	_ =	strace $0x90000047  }
0x83: {  	[bflag:$0x2] =	sbarrier.arrive $0xFFFF  }
0x84: {  	s0 =	rddreg [dreg:$0x3]  }
0x85: {  	s0 =	sadd.s32 @!p0 $0x100000, s0  }
0x86: {  	[sflag:s0] =	ssyncadd.tile.s32 @!p0 $0x1;
	_ =	shalt  }
.Lfunc_end2:
_tile_overlayer_lowered:
.L_overlay_start_2:
0x87: {  	(tag) =	ssettag $0x2  }
0x88: {  	s0 =	rddreg [dreg:$0x0];
	s2 =	stileid.u32  }
0x89: {  	s1 =	rddreg [dreg:$0x1];
	p0 =	sne.s32 s2, $0x0  }
0x8a: {  	s3 =	rddreg [dreg:$0x2];
	[bflag:$0x3] =	sbarrier.arrive $0xFFFF;
	s2 =	simm.s32 @!p0 $0x1C07  }
0x8b: {  	[timem:s3], [sflag:s2] =	dma.local @!p0 [hbm:s0], s1  }
0x8c: {  	s0 =	simm.s32 @!p0 $0x7  }
0x8d: {  	_ =	swait.ge @!p0 [sflag:s0], s1  }
0x8e: {  	s1 =	ssub.s32 @!p0 $0x0, s1;
	[sflag:s0] =	ssyncset.done @!p0 $0x0  }
0x8f: {  	[sflag:s0] =	ssyncadd.s32 @!p0 s1  }
0x90: {  	[bflag:$0x3] =	sbarrier.arrive $0xFFFF  }
0x91: {  	_ =	shalt  }

</sc_bundles>
